<compile_context>
chip_gen: v7x
topology: tpu7x:2x2x1
jax: 0.10.2.dev20260603
libtpu: 0.0.44.dev20260713+nightly
codegen_flags: <defaults>
</compile_context>

<pallas_src>
import functools

import jax
import jax.numpy as jnp
from jax import lax
from jax.experimental import pallas as pl
from jax.experimental.pallas import tpu as pltpu
from jax.experimental.pallas import tpu_sc as plsc

_D = 64
_B = 16384
_NC = 2
_NS = 16
_NW = _NC * _NS
_HN = 2 * _B // _NW
_HR = _B // _NW
_L = 16
_BW = 128
_R = 12
_NST = 16

_mesh = plsc.VectorSubcoreMesh(core_axis_name="c", subcore_axis_name="s")


def _splat(x):
    return jnp.broadcast_to(x.astype(jnp.int32), (_L,))


@functools.partial(
    pl.kernel,
    mesh=_mesh,
    compiler_params=pltpu.CompilerParams(disable_bounds_checks=True,
                                         needs_layout_passes=False),
    out_type=[jax.ShapeDtypeStruct((_B, _D), jnp.float32)] * 3,
    scratch_types=[
        pltpu.VMEM((_HN,), jnp.int32),
        pltpu.VMEM((_HN,), jnp.int32),
        pltpu.VMEM((_HR,), jnp.int32),
        pltpu.VMEM((_HR,), jnp.int32),
        pltpu.VMEM((_R, _D, _BW), jnp.float32),
        pltpu.VMEM((_NST, _D), jnp.float32),
        pltpu.SemaphoreType.DMA,
        pltpu.SemaphoreType.DMA,
    ],
)
def _gather3(sv_n, oj_n, sv_r, oj_r, node_t, rel_t,
             h_out, r_out, t_out,
             svn_v, ojn_v, svr_v, ojr_v, ring, stage, semb, sems):
    wid = lax.axis_index("s") * _NC + lax.axis_index("c")
    pltpu.sync_copy(sv_n.at[pl.ds(wid * _HN, _HN)], svn_v)
    pltpu.sync_copy(oj_n.at[pl.ds(wid * _HN, _HN)], ojn_v)
    pltpu.sync_copy(sv_r.at[pl.ds(wid * _HR, _HR)], svr_v)
    pltpu.sync_copy(oj_r.at[pl.ds(wid * _HR, _HR)], ojr_v)

    rows16 = lax.iota(jnp.int32, _L)

    def run_stream(tab, sv_buf, oj_buf, nhits, out_a, out_b, split):
        b0 = lax.shift_right_logical(
            plsc.load_gather(sv_buf, [_splat(jnp.int32(0))])[0], 7)
        blast = lax.shift_right_logical(
            plsc.load_gather(sv_buf, [_splat(jnp.int32(nhits - 1))])[0], 7)
        nbt = blast - b0 + 1

        def issue_more(carry):
            drained, issued = carry

            def cond(c2):
                d2, i2 = c2
                return jnp.logical_and(i2 < nbt, i2 < d2 + _R - 1)

            def body(c2):
                d2, i2 = c2
                boff = pl.multiple_of((b0 + i2) * _BW, _BW)
                pltpu.async_copy(tab.at[:, pl.ds(boff, _BW)],
                                 ring.at[lax.rem(i2, _R)], semb)
                return (d2, i2 + 1)

            return lax.while_loop(cond, body, (drained, issued))

        def drain_to(needed, carry):
            drained, issued = carry

            def cond(c2):
                d2, i2 = c2
                return d2 < needed

            def body(c2):
                d2, i2 = c2
                pltpu.make_async_copy(tab.at[:, pl.ds(0, _BW)],
                                      ring.at[lax.rem(d2, _R)], semb).wait()
                return (d2 + 1, i2)

            return lax.while_loop(cond, body, (drained, issued))

        carry0 = issue_more((jnp.int32(0), jnp.int32(0)))

        def hit_body(i, carry):
            v = plsc.load_gather(sv_buf, [_splat(i)])[0]
            j = plsc.load_gather(oj_buf, [_splat(i)])[0]
            needed = lax.shift_right_logical(v, 7) - b0 + 1
            carry = drain_to(needed, carry)
            carry = issue_more(carry)
            slot = lax.rem(lax.shift_right_logical(v, 7) - b0, _R)
            col = lax.bitwise_and(v, jnp.int32(_BW - 1))
            st = lax.rem(i, _NST)

            @pl.when(i >= _NST)
            def _():
                pltpu.make_async_copy(stage.at[pl.ds(st, 1)],
                                      out_a.at[pl.ds(0, 1)], sems).wait()

            for q in range(_D // _L):
                rr = rows16 + q * _L
                x = plsc.load_gather(ring, [_splat(slot), rr, _splat(col)])
                plsc.store_scatter(stage, [_splat(st), rr], x)

            jj = jnp.where(j < _B, j, j - _B)

            @pl.when(j < split)
            def _():
                pltpu.async_copy(stage.at[pl.ds(st, 1)],
                                 out_a.at[pl.ds(jj, 1)], sems)

            @pl.when(j >= split)
            def _():
                pltpu.async_copy(stage.at[pl.ds(st, 1)],
                                 out_b.at[pl.ds(jj, 1)], sems)

            return carry

        carry1 = lax.fori_loop(0, nhits, hit_body, carry0)
        drained, issued = carry1
        _ = drain_to(issued, (drained, issued))
        nlast = jnp.minimum(jnp.int32(nhits), jnp.int32(_NST))

        def drain_stage(k, carry2):
            pltpu.make_async_copy(stage.at[pl.ds(lax.rem(k, _NST), 1)],
                                  out_a.at[pl.ds(0, 1)], sems).wait()
            return carry2

        lax.fori_loop(0, nlast, drain_stage, 0)

    run_stream(node_t, svn_v, ojn_v, _HN, h_out, t_out, jnp.int32(_B))
    run_stream(rel_t, svr_v, ojr_v, _HR, r_out, r_out, jnp.int32(_B))


def kernel(triplets, node_embs, rel_embs):
    tri = triplets.astype(jnp.int32)
    h_idx = tri[:, 0].reshape(_B)
    r_idx = tri[:, 1].reshape(_B)
    t_idx = tri[:, 2].reshape(_B)
    v_n = jnp.concatenate([h_idx, t_idx])
    order_n = jnp.argsort(v_n).astype(jnp.int32)
    sv_n = v_n[order_n]
    order_r = jnp.argsort(r_idx).astype(jnp.int32)
    sv_r = r_idx[order_r]
    head, rel, tail = _gather3(sv_n, order_n, sv_r, order_r,
                               node_embs.T, rel_embs.T)
    return (head, rel, tail)

# --- scband reference (transcript-rebuilt; emitter-appended) ---
"""Pipeline reference for scband-trans-e-76020921140298 (READ-ONLY COPY).

The authoritative reference and input builder live on the scoring server;
editing this copy changes nothing except your own understanding.
"""

import jax, jax.numpy as jnp
import numpy as np

LATENT_DIM = 64
N_ENT = 1000000
N_REL = 1000000
BATCH = 16384

def setup_inputs(seed: int = 0) -> dict:
    key = jax.random.key(seed)
    k1, k2, k3 = jax.random.split(key, 3)
    bound = 6.0 / np.sqrt(LATENT_DIM)
    triplets = jax.random.randint(k1, (BATCH, 3), 0, 1000000, dtype=jnp.int64)
    node_embs = jax.random.uniform(k2, (N_ENT + 1, LATENT_DIM), dtype=jnp.float32, minval=-bound, maxval=bound)
    rel_embs = jax.random.uniform(k3, (N_REL + 1, LATENT_DIM), dtype=jnp.float32, minval=-bound, maxval=bound)
    return {"triplets": triplets, "node_embs": node_embs, "rel_embs": rel_embs}

def reference(triplets, node_embs, rel_embs):
    # TransE.forward: gather head-entity, relation, tail-entity embeddings
    head = jnp.take(node_embs, triplets[..., 0], axis=0)
    rel = jnp.take(rel_embs, triplets[..., 1], axis=0)
    tail = jnp.take(node_embs, triplets[..., 2], axis=0)
    return (head, rel, tail)

if __name__ == "__main__":
    import jax
    _d = setup_inputs()
    print(jax.jit(kernel)(*tuple(_d.values())))

</pallas_src>

<mosaic_0001>
#map = affine_map<(d0, d1) -> (0)>
#map1 = affine_map<(d0, d1) -> (0, 0)>
module attributes {stable_mosaic.version = 14 : i64} {
  func.func @_gather3(%arg0: i32, %arg1: i32, %arg2: memref<32768xi32, #tpu.memory_space<hbm>>, %arg3: memref<32768xi32, #tpu.memory_space<hbm>>, %arg4: memref<16384xi32, #tpu.memory_space<hbm>>, %arg5: memref<16384xi32, #tpu.memory_space<hbm>>, %arg6: memref<64x1000001xf32, #tpu.memory_space<hbm>>, %arg7: memref<64x1000001xf32, #tpu.memory_space<hbm>>, %arg8: memref<16384x64xf32, #tpu.memory_space<hbm>>, %arg9: memref<16384x64xf32, #tpu.memory_space<hbm>>, %arg10: memref<16384x64xf32, #tpu.memory_space<hbm>>, %arg11: memref<1024xi32, #tpu.memory_space<vmem>>, %arg12: memref<1024xi32, #tpu.memory_space<vmem>>, %arg13: memref<512xi32, #tpu.memory_space<vmem>>, %arg14: memref<512xi32, #tpu.memory_space<vmem>>, %arg15: memref<12x64x128xf32, #tpu.memory_space<vmem>>, %arg16: memref<16x64xf32, #tpu.memory_space<vmem>>, %arg17: memref<!tpu.dma_semaphore, #tpu.memory_space<semaphore_mem>>, %arg18: memref<!tpu.dma_semaphore, #tpu.memory_space<semaphore_mem>>) attributes {dimension_semantics = [#tpu.dimension_semantics<core_parallel>, #tpu.dimension_semantics<subcore_parallel>], iteration_bounds = array<i64: 2, 16>, scalar_prefetch = 0 : i64, scratch_operands = 8 : i64, tpu.core_type = #tpu.core_type<sc_vector_subcore>, window_params = [{transform_indices = #map}, {transform_indices = #map}, {transform_indices = #map}, {transform_indices = #map}, {transform_indices = #map1}, {transform_indices = #map1}, {transform_indices = #map1}, {transform_indices = #map1}, {transform_indices = #map1}]} {
    %mul3A = arith.constant 2 : i32
    %mul3A_0 = arith.muli %arg1, %mul3A : i32
    %add3A = arith.addi %mul3A_0, %arg0 : i32
    %mul3A_1 = arith.constant 1024 : i32
    %mul3A_2 = arith.muli %add3A, %mul3A_1 : i32
    "tpu.region"() ({
      %run_scoped3A = tpu.sem_alloc : memref<!tpu.dma_semaphore, #tpu.memory_space<semaphore_mem>>
      %dma_start3A = tpu.memref_slice %arg2[%mul3A_2] : memref<32768xi32, #tpu.memory_space<hbm>> -> memref<1024xi32, #tpu.memory_space<hbm>>
      %dma_start3A_82 = tpu.memref_slice %arg2[%mul3A_2] : memref<32768xi32, #tpu.memory_space<hbm>> -> memref<1024xi32, #tpu.memory_space<hbm>>
      tpu.enqueue_dma source(%dma_start3A_82 : memref<1024xi32, #tpu.memory_space<hbm>>) target(%arg11 : memref<1024xi32, #tpu.memory_space<vmem>>) target_semaphore(%run_scoped3A : memref<!tpu.dma_semaphore, #tpu.memory_space<semaphore_mem>>)
      %dma_wait3A = tpu.memref_slice %arg2[%mul3A_2] : memref<32768xi32, #tpu.memory_space<hbm>> -> memref<1024xi32, #tpu.memory_space<hbm>>
      %dma_wait3A_83 = tpu.memref_slice %arg2[%mul3A_2] : memref<32768xi32, #tpu.memory_space<hbm>> -> memref<1024xi32, #tpu.memory_space<hbm>>
      tpu.wait_dma2 semaphore(%run_scoped3A : memref<!tpu.dma_semaphore, #tpu.memory_space<semaphore_mem>>) src(%dma_wait3A_83 : memref<1024xi32, #tpu.memory_space<hbm>>) dst(%arg11 : memref<1024xi32, #tpu.memory_space<vmem>>)
      tpu.yield
    }) : () -> ()
    %mul3A_3 = arith.constant 1024 : i32
    %mul3A_4 = arith.muli %add3A, %mul3A_3 : i32
    "tpu.region"() ({
      %run_scoped3A = tpu.sem_alloc : memref<!tpu.dma_semaphore, #tpu.memory_space<semaphore_mem>>
      %dma_start3A = tpu.memref_slice %arg3[%mul3A_4] : memref<32768xi32, #tpu.memory_space<hbm>> -> memref<1024xi32, #tpu.memory_space<hbm>>
      %dma_start3A_82 = tpu.memref_slice %arg3[%mul3A_4] : memref<32768xi32, #tpu.memory_space<hbm>> -> memref<1024xi32, #tpu.memory_space<hbm>>
      tpu.enqueue_dma source(%dma_start3A_82 : memref<1024xi32, #tpu.memory_space<hbm>>) target(%arg12 : memref<1024xi32, #tpu.memory_space<vmem>>) target_semaphore(%run_scoped3A : memref<!tpu.dma_semaphore, #tpu.memory_space<semaphore_mem>>)
      %dma_wait3A = tpu.memref_slice %arg3[%mul3A_4] : memref<32768xi32, #tpu.memory_space<hbm>> -> memref<1024xi32, #tpu.memory_space<hbm>>
      %dma_wait3A_83 = tpu.memref_slice %arg3[%mul3A_4] : memref<32768xi32, #tpu.memory_space<hbm>> -> memref<1024xi32, #tpu.memory_space<hbm>>
      tpu.wait_dma2 semaphore(%run_scoped3A : memref<!tpu.dma_semaphore, #tpu.memory_space<semaphore_mem>>) src(%dma_wait3A_83 : memref<1024xi32, #tpu.memory_space<hbm>>) dst(%arg12 : memref<1024xi32, #tpu.memory_space<vmem>>)
      tpu.yield
    }) : () -> ()
    %mul3A_5 = arith.constant 512 : i32
    %mul3A_6 = arith.muli %add3A, %mul3A_5 : i32
    "tpu.region"() ({
      %run_scoped3A = tpu.sem_alloc : memref<!tpu.dma_semaphore, #tpu.memory_space<semaphore_mem>>
      %dma_start3A = tpu.memref_slice %arg4[%mul3A_6] : memref<16384xi32, #tpu.memory_space<hbm>> -> memref<512xi32, #tpu.memory_space<hbm>>
      %dma_start3A_82 = tpu.memref_slice %arg4[%mul3A_6] : memref<16384xi32, #tpu.memory_space<hbm>> -> memref<512xi32, #tpu.memory_space<hbm>>
      tpu.enqueue_dma source(%dma_start3A_82 : memref<512xi32, #tpu.memory_space<hbm>>) target(%arg13 : memref<512xi32, #tpu.memory_space<vmem>>) target_semaphore(%run_scoped3A : memref<!tpu.dma_semaphore, #tpu.memory_space<semaphore_mem>>)
      %dma_wait3A = tpu.memref_slice %arg4[%mul3A_6] : memref<16384xi32, #tpu.memory_space<hbm>> -> memref<512xi32, #tpu.memory_space<hbm>>
      %dma_wait3A_83 = tpu.memref_slice %arg4[%mul3A_6] : memref<16384xi32, #tpu.memory_space<hbm>> -> memref<512xi32, #tpu.memory_space<hbm>>
      tpu.wait_dma2 semaphore(%run_scoped3A : memref<!tpu.dma_semaphore, #tpu.memory_space<semaphore_mem>>) src(%dma_wait3A_83 : memref<512xi32, #tpu.memory_space<hbm>>) dst(%arg13 : memref<512xi32, #tpu.memory_space<vmem>>)
      tpu.yield
    }) : () -> ()
    %mul3A_7 = arith.constant 512 : i32
    %mul3A_8 = arith.muli %add3A, %mul3A_7 : i32
    "tpu.region"() ({
      %run_scoped3A = tpu.sem_alloc : memref<!tpu.dma_semaphore, #tpu.memory_space<semaphore_mem>>
      %dma_start3A = tpu.memref_slice %arg5[%mul3A_8] : memref<16384xi32, #tpu.memory_space<hbm>> -> memref<512xi32, #tpu.memory_space<hbm>>
      %dma_start3A_82 = tpu.memref_slice %arg5[%mul3A_8] : memref<16384xi32, #tpu.memory_space<hbm>> -> memref<512xi32, #tpu.memory_space<hbm>>
      tpu.enqueue_dma source(%dma_start3A_82 : memref<512xi32, #tpu.memory_space<hbm>>) target(%arg14 : memref<512xi32, #tpu.memory_space<vmem>>) target_semaphore(%run_scoped3A : memref<!tpu.dma_semaphore, #tpu.memory_space<semaphore_mem>>)
      %dma_wait3A = tpu.memref_slice %arg5[%mul3A_8] : memref<16384xi32, #tpu.memory_space<hbm>> -> memref<512xi32, #tpu.memory_space<hbm>>
      %dma_wait3A_83 = tpu.memref_slice %arg5[%mul3A_8] : memref<16384xi32, #tpu.memory_space<hbm>> -> memref<512xi32, #tpu.memory_space<hbm>>
      tpu.wait_dma2 semaphore(%run_scoped3A : memref<!tpu.dma_semaphore, #tpu.memory_space<semaphore_mem>>) src(%dma_wait3A_83 : memref<512xi32, #tpu.memory_space<hbm>>) dst(%arg14 : memref<512xi32, #tpu.memory_space<vmem>>)
      tpu.yield
    }) : () -> ()
    %iota3A = tpu.iota {dimensions = array<i32: 0>} : vector<16xi32>
    %broadcast_in_dim3A = arith.constant 0 : i32
    %broadcast_in_dim3A_9 = vector.broadcast %broadcast_in_dim3A : i32 to vector<16xi32>
    %gather3A = tpu.vector_load_idx %arg11[%broadcast_in_dim3A_9] : memref<1024xi32, #tpu.memory_space<vmem>>[vector<16xi32>], vector<16xi32>,
    %slice3A = vector.extract_strided_slice %gather3A {offsets = [0], sizes = [1], strides = [1]} : vector<16xi32> to vector<1xi32>
    %squeeze3A = vector.extract %slice3A[0] : i32 from vector<1xi32>
    %shift_right_logical3A = arith.constant 7 : i32
    %shift_right_logical3A_10 = arith.shrui %squeeze3A, %shift_right_logical3A : i32
    %broadcast_in_dim3A_11 = arith.constant 1023 : i32
    %broadcast_in_dim3A_12 = vector.broadcast %broadcast_in_dim3A_11 : i32 to vector<16xi32>
    %gather3A_13 = tpu.vector_load_idx %arg11[%broadcast_in_dim3A_12] : memref<1024xi32, #tpu.memory_space<vmem>>[vector<16xi32>], vector<16xi32>,
    %slice3A_14 = vector.extract_strided_slice %gather3A_13 {offsets = [0], sizes = [1], strides = [1]} : vector<16xi32> to vector<1xi32>
    %squeeze3A_15 = vector.extract %slice3A_14[0] : i32 from vector<1xi32>
    %shift_right_logical3A_16 = arith.constant 7 : i32
    %shift_right_logical3A_17 = arith.shrui %squeeze3A_15, %shift_right_logical3A_16 : i32
    %sub3A = arith.subi %shift_right_logical3A_17, %shift_right_logical3A_10 : i32
    %add3A_18 = arith.constant 1 : i32
    %add3A_19 = arith.addi %sub3A, %add3A_18 : i32
    %while3A = arith.constant 0 : i32
    %while3A_20 = arith.constant 0 : i32
    %while3A_21:2 = scf.while (%while3A_82 = %while3A, %while3A_83 = %while3A_20) : (i32, i32) -> (i32, i32) {
      %lt3A = arith.cmpi slt, %while3A_83, %add3A_19 : i32
      %add3A_84 = arith.constant 12 : i32
      %add3A_85 = arith.addi %while3A_82, %add3A_84 : i32
      %sub3A_86 = arith.constant 1 : i32
      %sub3A_87 = arith.subi %add3A_85, %sub3A_86 : i32
      %lt3A_88 = arith.cmpi slt, %while3A_83, %sub3A_87 : i32
      %and3A = arith.andi %lt3A, %lt3A_88 : i1
      scf.condition(%and3A) %while3A_82, %while3A_83 : i32, i32
    } do {
    ^bb0(%while3A_82: i32, %while3A_83: i32):
      %add3A_84 = arith.addi %shift_right_logical3A_10, %while3A_83 : i32
      %mul3A_85 = arith.constant 128 : i32
      %mul3A_86 = arith.muli %add3A_84, %mul3A_85 : i32
      %multiple_of3A = tpu.assume_multiple %mul3A_86, 128 : i32
      %rem3A = arith.constant 12 : i32
      %rem3A_87 = arith.remsi %while3A_83, %rem3A : i32
      %dma_start3A = arith.constant 0 : i32
      %dma_start3A_88 = arith.constant 0 : i32
      %dma_start3A_89 = tpu.memref_slice %arg15[%rem3A_87, %dma_start3A, %dma_start3A_88] : memref<12x64x128xf32, #tpu.memory_space<vmem>> -> memref<1x64x128xf32, #tpu.memory_space<vmem>>
      %dma_start3A_90 = tpu.memref_squeeze %dma_start3A_89 : memref<1x64x128xf32, #tpu.memory_space<vmem>> -> memref<64x128xf32, #tpu.memory_space<vmem>>
      %dma_start3A_91 = arith.constant 0 : i32
      %dma_start3A_92 = tpu.memref_slice %arg6[%dma_start3A_91, %multiple_of3A] : memref<64x1000001xf32, #tpu.memory_space<hbm>> -> memref<64x128xf32, #tpu.memory_space<hbm>>
      %dma_start3A_93 = arith.constant 0 : i32
      %dma_start3A_94 = arith.constant 0 : i32
      %dma_start3A_95 = tpu.memref_slice %arg15[%rem3A_87, %dma_start3A_93, %dma_start3A_94] : memref<12x64x128xf32, #tpu.memory_space<vmem>> -> memref<1x64x128xf32, #tpu.memory_space<vmem>>
      %dma_start3A_96 = tpu.memref_squeeze %dma_start3A_95 : memref<1x64x128xf32, #tpu.memory_space<vmem>> -> memref<64x128xf32, #tpu.memory_space<vmem>>
      %dma_start3A_97 = arith.constant 0 : i32
      %dma_start3A_98 = tpu.memref_slice %arg6[%dma_start3A_97, %multiple_of3A] : memref<64x1000001xf32, #tpu.memory_space<hbm>> -> memref<64x128xf32, #tpu.memory_space<hbm>>
      tpu.enqueue_dma source(%dma_start3A_98 : memref<64x128xf32, #tpu.memory_space<hbm>>) target(%dma_start3A_96 : memref<64x128xf32, #tpu.memory_space<vmem>>) target_semaphore(%arg17 : memref<!tpu.dma_semaphore, #tpu.memory_space<semaphore_mem>>)
      %add3A_99 = arith.constant 1 : i32
      %add3A_100 = arith.addi %while3A_83, %add3A_99 : i32
      scf.yield %while3A_82, %add3A_100 : i32, i32
    }
    %scan3A = arith.constant 16384 : i32
    %scan3A_22 = arith.constant 0 : i32
    %scan3A_23 = arith.constant 1024 : i32
    %scan3A_24 = arith.addi %scan3A_22, %scan3A_23 : i32
    %scan3A_25 = arith.constant 1 : i32
    %scan3A_26:2 = scf.for %scan3A_82 = %scan3A_22 to %scan3A_24 step %scan3A_25 iter_args(%scan3A_83 = %while3A_21#0, %scan3A_84 = %while3A_21#1) -> (i32, i32)  : i32 {
      %broadcast_in_dim3A_85 = vector.broadcast %scan3A_82 : i32 to vector<16xi32>
      %gather3A_86 = tpu.vector_load_idx %arg11[%broadcast_in_dim3A_85] : memref<1024xi32, #tpu.memory_space<vmem>>[vector<16xi32>], vector<16xi32>,
      %slice3A_87 = vector.extract_strided_slice %gather3A_86 {offsets = [0], sizes = [1], strides = [1]} : vector<16xi32> to vector<1xi32>
      %squeeze3A_88 = vector.extract %slice3A_87[0] : i32 from vector<1xi32>
      %broadcast_in_dim3A_89 = vector.broadcast %scan3A_82 : i32 to vector<16xi32>
      %gather3A_90 = tpu.vector_load_idx %arg12[%broadcast_in_dim3A_89] : memref<1024xi32, #tpu.memory_space<vmem>>[vector<16xi32>], vector<16xi32>,
      %slice3A_91 = vector.extract_strided_slice %gather3A_90 {offsets = [0], sizes = [1], strides = [1]} : vector<16xi32> to vector<1xi32>
      %squeeze3A_92 = vector.extract %slice3A_91[0] : i32 from vector<1xi32>
      %shift_right_logical3A_93 = arith.constant 7 : i32
      %shift_right_logical3A_94 = arith.shrui %squeeze3A_88, %shift_right_logical3A_93 : i32
      %sub3A_95 = arith.subi %shift_right_logical3A_94, %shift_right_logical3A_10 : i32
      %add3A_96 = arith.constant 1 : i32
      %add3A_97 = arith.addi %sub3A_95, %add3A_96 : i32
      %while3A_98 = scf.while (%while3A_148 = %scan3A_83) : (i32) -> i32 {
        %lt3A_149 = arith.cmpi slt, %while3A_148, %add3A_97 : i32
        scf.condition(%lt3A_149) %while3A_148 : i32
      } do {
      ^bb0(%while3A_148: i32):
        %rem3A_149 = arith.constant 12 : i32
        %rem3A_150 = arith.remsi %while3A_148, %rem3A_149 : i32
        %dma_wait3A = arith.constant 0 : i32
        %dma_wait3A_151 = arith.constant 0 : i32
        %dma_wait3A_152 = tpu.memref_slice %arg15[%rem3A_150, %dma_wait3A, %dma_wait3A_151] : memref<12x64x128xf32, #tpu.memory_space<vmem>> -> memref<1x64x128xf32, #tpu.memory_space<vmem>>
        %dma_wait3A_153 = tpu.memref_squeeze %dma_wait3A_152 : memref<1x64x128xf32, #tpu.memory_space<vmem>> -> memref<64x128xf32, #tpu.memory_space<vmem>>
        %dma_wait3A_154 = arith.constant 0 : i32
        %dma_wait3A_155 = arith.constant 0 : i32
        %dma_wait3A_156 = tpu.memref_slice %arg6[%dma_wait3A_154, %dma_wait3A_155] : memref<64x1000001xf32, #tpu.memory_space<hbm>> -> memref<64x128xf32, #tpu.memory_space<hbm>>
        %dma_wait3A_157 = arith.constant 0 : i32
        %dma_wait3A_158 = arith.constant 0 : i32
        %dma_wait3A_159 = tpu.memref_slice %arg15[%rem3A_150, %dma_wait3A_157, %dma_wait3A_158] : memref<12x64x128xf32, #tpu.memory_space<vmem>> -> memref<1x64x128xf32, #tpu.memory_space<vmem>>
        %dma_wait3A_160 = tpu.memref_squeeze %dma_wait3A_159 : memref<1x64x128xf32, #tpu.memory_space<vmem>> -> memref<64x128xf32, #tpu.memory_space<vmem>>
        %dma_wait3A_161 = arith.constant 0 : i32
        %dma_wait3A_162 = arith.constant 0 : i32
        %dma_wait3A_163 = tpu.memref_slice %arg6[%dma_wait3A_161, %dma_wait3A_162] : memref<64x1000001xf32, #tpu.memory_space<hbm>> -> memref<64x128xf32, #tpu.memory_space<hbm>>
        tpu.wait_dma2 semaphore(%arg17 : memref<!tpu.dma_semaphore, #tpu.memory_space<semaphore_mem>>) src(%dma_wait3A_163 : memref<64x128xf32, #tpu.memory_space<hbm>>) dst(%dma_wait3A_160 : memref<64x128xf32, #tpu.memory_space<vmem>>)
        %add3A_164 = arith.constant 1 : i32
        %add3A_165 = arith.addi %while3A_148, %add3A_164 : i32
        scf.yield %add3A_165 : i32
      }
      %while3A_99:2 = scf.while (%while3A_148 = %while3A_98, %while3A_149 = %scan3A_84) : (i32, i32) -> (i32, i32) {
        %lt3A_150 = arith.cmpi slt, %while3A_149, %add3A_19 : i32
        %add3A_151 = arith.constant 12 : i32
        %add3A_152 = arith.addi %while3A_148, %add3A_151 : i32
        %sub3A_153 = arith.constant 1 : i32
        %sub3A_154 = arith.subi %add3A_152, %sub3A_153 : i32
        %lt3A_155 = arith.cmpi slt, %while3A_149, %sub3A_154 : i32
        %and3A_156 = arith.andi %lt3A_150, %lt3A_155 : i1
        scf.condition(%and3A_156) %while3A_148, %while3A_149 : i32, i32
      } do {
      ^bb0(%while3A_148: i32, %while3A_149: i32):
        %add3A_150 = arith.addi %shift_right_logical3A_10, %while3A_149 : i32
        %mul3A_151 = arith.constant 128 : i32
        %mul3A_152 = arith.muli %add3A_150, %mul3A_151 : i32
        %multiple_of3A = tpu.assume_multiple %mul3A_152, 128 : i32
        %rem3A_153 = arith.constant 12 : i32
        %rem3A_154 = arith.remsi %while3A_149, %rem3A_153 : i32
        %dma_start3A = arith.constant 0 : i32
        %dma_start3A_155 = arith.constant 0 : i32
        %dma_start3A_156 = tpu.memref_slice %arg15[%rem3A_154, %dma_start3A, %dma_start3A_155] : memref<12x64x128xf32, #tpu.memory_space<vmem>> -> memref<1x64x128xf32, #tpu.memory_space<vmem>>
        %dma_start3A_157 = tpu.memref_squeeze %dma_start3A_156 : memref<1x64x128xf32, #tpu.memory_space<vmem>> -> memref<64x128xf32, #tpu.memory_space<vmem>>
        %dma_start3A_158 = arith.constant 0 : i32
        %dma_start3A_159 = tpu.memref_slice %arg6[%dma_start3A_158, %multiple_of3A] : memref<64x1000001xf32, #tpu.memory_space<hbm>> -> memref<64x128xf32, #tpu.memory_space<hbm>>
        %dma_start3A_160 = arith.constant 0 : i32
        %dma_start3A_161 = arith.constant 0 : i32
        %dma_start3A_162 = tpu.memref_slice %arg15[%rem3A_154, %dma_start3A_160, %dma_start3A_161] : memref<12x64x128xf32, #tpu.memory_space<vmem>> -> memref<1x64x128xf32, #tpu.memory_space<vmem>>
        %dma_start3A_163 = tpu.memref_squeeze %dma_start3A_162 : memref<1x64x128xf32, #tpu.memory_space<vmem>> -> memref<64x128xf32, #tpu.memory_space<vmem>>
        %dma_start3A_164 = arith.constant 0 : i32
        %dma_start3A_165 = tpu.memref_slice %arg6[%dma_start3A_164, %multiple_of3A] : memref<64x1000001xf32, #tpu.memory_space<hbm>> -> memref<64x128xf32, #tpu.memory_space<hbm>>
        tpu.enqueue_dma source(%dma_start3A_165 : memref<64x128xf32, #tpu.memory_space<hbm>>) target(%dma_start3A_163 : memref<64x128xf32, #tpu.memory_space<vmem>>) target_semaphore(%arg17 : memref<!tpu.dma_semaphore, #tpu.memory_space<semaphore_mem>>)
        %add3A_166 = arith.constant 1 : i32
        %add3A_167 = arith.addi %while3A_149, %add3A_166 : i32
        scf.yield %while3A_148, %add3A_167 : i32, i32
      }
      %shift_right_logical3A_100 = arith.constant 7 : i32
      %shift_right_logical3A_101 = arith.shrui %squeeze3A_88, %shift_right_logical3A_100 : i32
      %sub3A_102 = arith.subi %shift_right_logical3A_101, %shift_right_logical3A_10 : i32
      %rem3A = arith.constant 12 : i32
      %rem3A_103 = arith.remsi %sub3A_102, %rem3A : i32
      %and3A = arith.constant 127 : i32
      %and3A_104 = arith.andi %squeeze3A_88, %and3A : i32
      %rem3A_105 = arith.constant 16 : i32
      %rem3A_106 = arith.remsi %scan3A_82, %rem3A_105 : i32
      %ge3A = arith.constant 16 : i32
      %ge3A_107 = arith.cmpi sge, %scan3A_82, %ge3A : i32
      %convert_element_type3A = arith.extui %ge3A_107 : i1 to i32
      %cond3A = arith.constant 0 : i32
      %cond3A_108 = arith.cmpi ne, %convert_element_type3A, %cond3A : i32
      scf.if %cond3A_108 {
        %dma_wait3A = arith.constant 0 : i32
        %dma_wait3A_148 = tpu.memref_slice %arg16[%rem3A_106, %dma_wait3A] : memref<16x64xf32, #tpu.memory_space<vmem>> -> memref<1x64xf32, #tpu.memory_space<vmem>>
        %dma_wait3A_149 = arith.constant 0 : i32
        %dma_wait3A_150 = arith.constant 0 : i32
        %dma_wait3A_151 = tpu.memref_slice %arg8[%dma_wait3A_149, %dma_wait3A_150] : memref<16384x64xf32, #tpu.memory_space<hbm>> -> memref<1x64xf32, #tpu.memory_space<hbm>>
        %dma_wait3A_152 = arith.constant 0 : i32
        %dma_wait3A_153 = arith.constant 0 : i32
        %dma_wait3A_154 = tpu.memref_slice %arg8[%dma_wait3A_152, %dma_wait3A_153] : memref<16384x64xf32, #tpu.memory_space<hbm>> -> memref<1x64xf32, #tpu.memory_space<hbm>>
        %dma_wait3A_155 = arith.constant 0 : i32
        %dma_wait3A_156 = tpu.memref_slice %arg16[%rem3A_106, %dma_wait3A_155] : memref<16x64xf32, #tpu.memory_space<vmem>> -> memref<1x64xf32, #tpu.memory_space<vmem>>
        tpu.wait_dma2 semaphore(%arg18 : memref<!tpu.dma_semaphore, #tpu.memory_space<semaphore_mem>>) src(%dma_wait3A_156 : memref<1x64xf32, #tpu.memory_space<vmem>>) dst(%dma_wait3A_154 : memref<1x64xf32, #tpu.memory_space<hbm>>)
      } else {
      }
      %add3A_109 = arith.constant 0 : i32
      %add3A_110 = vector.broadcast %add3A_109 : i32 to vector<16xi32>
      %add3A_111 = arith.addi %iota3A, %add3A_110 : vector<16xi32>
      %broadcast_in_dim3A_112 = vector.broadcast %rem3A_103 : i32 to vector<16xi32>
      %broadcast_in_dim3A_113 = vector.broadcast %and3A_104 : i32 to vector<16xi32>
      %gather3A_114 = tpu.vector_load_idx %arg15[%broadcast_in_dim3A_112, %add3A_111, %broadcast_in_dim3A_113] : memref<12x64x128xf32, #tpu.memory_space<vmem>>[vector<16xi32>, vector<16xi32>, vector<16xi32>], vector<16xf32>,
      %broadcast_in_dim3A_115 = vector.broadcast %rem3A_106 : i32 to vector<16xi32>
      tpu.vector_store_idx %arg16[%broadcast_in_dim3A_115, %add3A_111], %gather3A_114 : memref<16x64xf32, #tpu.memory_space<vmem>>[vector<16xi32>, vector<16xi32>], vector<16xf32>,
      %add3A_116 = arith.constant 16 : i32
      %add3A_117 = vector.broadcast %add3A_116 : i32 to vector<16xi32>
      %add3A_118 = arith.addi %iota3A, %add3A_117 : vector<16xi32>
      %broadcast_in_dim3A_119 = vector.broadcast %rem3A_103 : i32 to vector<16xi32>
      %broadcast_in_dim3A_120 = vector.broadcast %and3A_104 : i32 to vector<16xi32>
      %gather3A_121 = tpu.vector_load_idx %arg15[%broadcast_in_dim3A_119, %add3A_118, %broadcast_in_dim3A_120] : memref<12x64x128xf32, #tpu.memory_space<vmem>>[vector<16xi32>, vector<16xi32>, vector<16xi32>], vector<16xf32>,
      %broadcast_in_dim3A_122 = vector.broadcast %rem3A_106 : i32 to vector<16xi32>
      tpu.vector_store_idx %arg16[%broadcast_in_dim3A_122, %add3A_118], %gather3A_121 : memref<16x64xf32, #tpu.memory_space<vmem>>[vector<16xi32>, vector<16xi32>], vector<16xf32>,
      %add3A_123 = arith.constant 32 : i32
      %add3A_124 = vector.broadcast %add3A_123 : i32 to vector<16xi32>
      %add3A_125 = arith.addi %iota3A, %add3A_124 : vector<16xi32>
      %broadcast_in_dim3A_126 = vector.broadcast %rem3A_103 : i32 to vector<16xi32>
      %broadcast_in_dim3A_127 = vector.broadcast %and3A_104 : i32 to vector<16xi32>
      %gather3A_128 = tpu.vector_load_idx %arg15[%broadcast_in_dim3A_126, %add3A_125, %broadcast_in_dim3A_127] : memref<12x64x128xf32, #tpu.memory_space<vmem>>[vector<16xi32>, vector<16xi32>, vector<16xi32>], vector<16xf32>,
      %broadcast_in_dim3A_129 = vector.broadcast %rem3A_106 : i32 to vector<16xi32>
      tpu.vector_store_idx %arg16[%broadcast_in_dim3A_129, %add3A_125], %gather3A_128 : memref<16x64xf32, #tpu.memory_space<vmem>>[vector<16xi32>, vector<16xi32>], vector<16xf32>,
      %add3A_130 = arith.constant 48 : i32
      %add3A_131 = vector.broadcast %add3A_130 : i32 to vector<16xi32>
      %add3A_132 = arith.addi %iota3A, %add3A_131 : vector<16xi32>
      %broadcast_in_dim3A_133 = vector.broadcast %rem3A_103 : i32 to vector<16xi32>
      %broadcast_in_dim3A_134 = vector.broadcast %and3A_104 : i32 to vector<16xi32>
      %gather3A_135 = tpu.vector_load_idx %arg15[%broadcast_in_dim3A_133, %add3A_132, %broadcast_in_dim3A_134] : memref<12x64x128xf32, #tpu.memory_space<vmem>>[vector<16xi32>, vector<16xi32>, vector<16xi32>], vector<16xf32>,
      %broadcast_in_dim3A_136 = vector.broadcast %rem3A_106 : i32 to vector<16xi32>
      tpu.vector_store_idx %arg16[%broadcast_in_dim3A_136, %add3A_132], %gather3A_135 : memref<16x64xf32, #tpu.memory_space<vmem>>[vector<16xi32>, vector<16xi32>], vector<16xf32>,
      %lt3A = arith.constant 16384 : i32
      %lt3A_137 = arith.cmpi slt, %squeeze3A_92, %lt3A : i32
      %sub3A_138 = arith.constant 16384 : i32
      %sub3A_139 = arith.subi %squeeze3A_92, %sub3A_138 : i32
      %select_n3A = arith.select %lt3A_137, %squeeze3A_92, %sub3A_139 : i32
      %lt3A_140 = arith.cmpi slt, %squeeze3A_92, %scan3A : i32
      %convert_element_type3A_141 = arith.extui %lt3A_140 : i1 to i32
      %cond3A_142 = arith.constant 0 : i32
      %cond3A_143 = arith.cmpi ne, %convert_element_type3A_141, %cond3A_142 : i32
      scf.if %cond3A_143 {
        %dma_start3A = arith.constant 0 : i32
        %dma_start3A_148 = tpu.memref_slice %arg16[%rem3A_106, %dma_start3A] : memref<16x64xf32, #tpu.memory_space<vmem>> -> memref<1x64xf32, #tpu.memory_space<vmem>>
        %dma_start3A_149 = arith.constant 0 : i32
        %dma_start3A_150 = tpu.memref_slice %arg8[%select_n3A, %dma_start3A_149] : memref<16384x64xf32, #tpu.memory_space<hbm>> -> memref<1x64xf32, #tpu.memory_space<hbm>>
        %dma_start3A_151 = arith.constant 0 : i32
        %dma_start3A_152 = tpu.memref_slice %arg8[%select_n3A, %dma_start3A_151] : memref<16384x64xf32, #tpu.memory_space<hbm>> -> memref<1x64xf32, #tpu.memory_space<hbm>>
        %dma_start3A_153 = arith.constant 0 : i32
        %dma_start3A_154 = tpu.memref_slice %arg16[%rem3A_106, %dma_start3A_153] : memref<16x64xf32, #tpu.memory_space<vmem>> -> memref<1x64xf32, #tpu.memory_space<vmem>>
        tpu.enqueue_dma source(%dma_start3A_154 : memref<1x64xf32, #tpu.memory_space<vmem>>) target(%dma_start3A_152 : memref<1x64xf32, #tpu.memory_space<hbm>>) target_semaphore(%arg18 : memref<!tpu.dma_semaphore, #tpu.memory_space<semaphore_mem>>)
      } else {
      }
      %ge3A_144 = arith.cmpi sge, %squeeze3A_92, %scan3A : i32
      %convert_element_type3A_145 = arith.extui %ge3A_144 : i1 to i32
      %cond3A_146 = arith.constant 0 : i32
      %cond3A_147 = arith.cmpi ne, %convert_element_type3A_145, %cond3A_146 : i32
      scf.if %cond3A_147 {
        %dma_start3A = arith.constant 0 : i32
        %dma_start3A_148 = tpu.memref_slice %arg16[%rem3A_106, %dma_start3A] : memref<16x64xf32, #tpu.memory_space<vmem>> -> memref<1x64xf32, #tpu.memory_space<vmem>>
        %dma_start3A_149 = arith.constant 0 : i32
        %dma_start3A_150 = tpu.memref_slice %arg10[%select_n3A, %dma_start3A_149] : memref<16384x64xf32, #tpu.memory_space<hbm>> -> memref<1x64xf32, #tpu.memory_space<hbm>>
        %dma_start3A_151 = arith.constant 0 : i32
        %dma_start3A_152 = tpu.memref_slice %arg10[%select_n3A, %dma_start3A_151] : memref<16384x64xf32, #tpu.memory_space<hbm>> -> memref<1x64xf32, #tpu.memory_space<hbm>>
        %dma_start3A_153 = arith.constant 0 : i32
        %dma_start3A_154 = tpu.memref_slice %arg16[%rem3A_106, %dma_start3A_153] : memref<16x64xf32, #tpu.memory_space<vmem>> -> memref<1x64xf32, #tpu.memory_space<vmem>>
        tpu.enqueue_dma source(%dma_start3A_154 : memref<1x64xf32, #tpu.memory_space<vmem>>) target(%dma_start3A_152 : memref<1x64xf32, #tpu.memory_space<hbm>>) target_semaphore(%arg18 : memref<!tpu.dma_semaphore, #tpu.memory_space<semaphore_mem>>)
      } else {
      }
      scf.yield %while3A_99#0, %while3A_99#1 : i32, i32
    }
    %scan3A_27 = arith.constant 1024 : i32
    %while3A_28 = scf.while (%while3A_82 = %scan3A_26#0) : (i32) -> i32 {
      %lt3A = arith.cmpi slt, %while3A_82, %scan3A_26#1 : i32
      scf.condition(%lt3A) %while3A_82 : i32
    } do {
    ^bb0(%while3A_82: i32):
      %rem3A = arith.constant 12 : i32
      %rem3A_83 = arith.remsi %while3A_82, %rem3A : i32
      %dma_wait3A = arith.constant 0 : i32
      %dma_wait3A_84 = arith.constant 0 : i32
      %dma_wait3A_85 = tpu.memref_slice %arg15[%rem3A_83, %dma_wait3A, %dma_wait3A_84] : memref<12x64x128xf32, #tpu.memory_space<vmem>> -> memref<1x64x128xf32, #tpu.memory_space<vmem>>
      %dma_wait3A_86 = tpu.memref_squeeze %dma_wait3A_85 : memref<1x64x128xf32, #tpu.memory_space<vmem>> -> memref<64x128xf32, #tpu.memory_space<vmem>>
      %dma_wait3A_87 = arith.constant 0 : i32
      %dma_wait3A_88 = arith.constant 0 : i32
      %dma_wait3A_89 = tpu.memref_slice %arg6[%dma_wait3A_87, %dma_wait3A_88] : memref<64x1000001xf32, #tpu.memory_space<hbm>> -> memref<64x128xf32, #tpu.memory_space<hbm>>
      %dma_wait3A_90 = arith.constant 0 : i32
      %dma_wait3A_91 = arith.constant 0 : i32
      %dma_wait3A_92 = tpu.memref_slice %arg15[%rem3A_83, %dma_wait3A_90, %dma_wait3A_91] : memref<12x64x128xf32, #tpu.memory_space<vmem>> -> memref<1x64x128xf32, #tpu.memory_space<vmem>>
      %dma_wait3A_93 = tpu.memref_squeeze %dma_wait3A_92 : memref<1x64x128xf32, #tpu.memory_space<vmem>> -> memref<64x128xf32, #tpu.memory_space<vmem>>
      %dma_wait3A_94 = arith.constant 0 : i32
      %dma_wait3A_95 = arith.constant 0 : i32
      %dma_wait3A_96 = tpu.memref_slice %arg6[%dma_wait3A_94, %dma_wait3A_95] : memref<64x1000001xf32, #tpu.memory_space<hbm>> -> memref<64x128xf32, #tpu.memory_space<hbm>>
      tpu.wait_dma2 semaphore(%arg17 : memref<!tpu.dma_semaphore, #tpu.memory_space<semaphore_mem>>) src(%dma_wait3A_96 : memref<64x128xf32, #tpu.memory_space<hbm>>) dst(%dma_wait3A_93 : memref<64x128xf32, #tpu.memory_space<vmem>>)
      %add3A_97 = arith.constant 1 : i32
      %add3A_98 = arith.addi %while3A_82, %add3A_97 : i32
      scf.yield %add3A_98 : i32
    }
    %min3A = arith.constant 1024 : i32
    %min3A_29 = arith.constant 16 : i32
    %min3A_30 = arith.minsi %min3A, %min3A_29 : i32
    %while3A_31 = arith.constant 0 : i32
    %while3A_32 = arith.constant 0 : i32
    %while3A_33 = arith.subi %min3A_30, %while3A_32 : i32
    %while3A_34 = arith.addi %while3A_32, %while3A_33 : i32
    %while3A_35 = arith.constant 1 : i32
    %while3A_36 = arith.divsi %while3A_33, %while3A_35 : i32
    %while3A_37 = arith.muli %while3A_36, %while3A_35 : i32
    %while3A_38 = arith.addi %while3A_32, %while3A_37 : i32
    %while3A_39 = arith.constant 1 : i32
    scf.for %while3A_82 = %while3A_32 to %while3A_38 step %while3A_39  : i32 {
      %rem3A = arith.constant 16 : i32
      %rem3A_83 = arith.remsi %while3A_82, %rem3A : i32
      %dma_wait3A = arith.constant 0 : i32
      %dma_wait3A_84 = tpu.memref_slice %arg16[%rem3A_83, %dma_wait3A] : memref<16x64xf32, #tpu.memory_space<vmem>> -> memref<1x64xf32, #tpu.memory_space<vmem>>
      %dma_wait3A_85 = arith.constant 0 : i32
      %dma_wait3A_86 = arith.constant 0 : i32
      %dma_wait3A_87 = tpu.memref_slice %arg8[%dma_wait3A_85, %dma_wait3A_86] : memref<16384x64xf32, #tpu.memory_space<hbm>> -> memref<1x64xf32, #tpu.memory_space<hbm>>
      %dma_wait3A_88 = arith.constant 0 : i32
      %dma_wait3A_89 = arith.constant 0 : i32
      %dma_wait3A_90 = tpu.memref_slice %arg8[%dma_wait3A_88, %dma_wait3A_89] : memref<16384x64xf32, #tpu.memory_space<hbm>> -> memref<1x64xf32, #tpu.memory_space<hbm>>
      %dma_wait3A_91 = arith.constant 0 : i32
      %dma_wait3A_92 = tpu.memref_slice %arg16[%rem3A_83, %dma_wait3A_91] : memref<16x64xf32, #tpu.memory_space<vmem>> -> memref<1x64xf32, #tpu.memory_space<vmem>>
      tpu.wait_dma2 semaphore(%arg18 : memref<!tpu.dma_semaphore, #tpu.memory_space<semaphore_mem>>) src(%dma_wait3A_92 : memref<1x64xf32, #tpu.memory_space<vmem>>) dst(%dma_wait3A_90 : memref<1x64xf32, #tpu.memory_space<hbm>>)
    }
    %while3A_40 = arith.constant 1 : i32
    scf.for %while3A_82 = %while3A_38 to %while3A_34 step %while3A_40  : i32 {
      %rem3A = arith.constant 16 : i32
      %rem3A_83 = arith.remsi %while3A_82, %rem3A : i32
      %dma_wait3A = arith.constant 0 : i32
      %dma_wait3A_84 = tpu.memref_slice %arg16[%rem3A_83, %dma_wait3A] : memref<16x64xf32, #tpu.memory_space<vmem>> -> memref<1x64xf32, #tpu.memory_space<vmem>>
      %dma_wait3A_85 = arith.constant 0 : i32
      %dma_wait3A_86 = arith.constant 0 : i32
      %dma_wait3A_87 = tpu.memref_slice %arg8[%dma_wait3A_85, %dma_wait3A_86] : memref<16384x64xf32, #tpu.memory_space<hbm>> -> memref<1x64xf32, #tpu.memory_space<hbm>>
      %dma_wait3A_88 = arith.constant 0 : i32
      %dma_wait3A_89 = arith.constant 0 : i32
      %dma_wait3A_90 = tpu.memref_slice %arg8[%dma_wait3A_88, %dma_wait3A_89] : memref<16384x64xf32, #tpu.memory_space<hbm>> -> memref<1x64xf32, #tpu.memory_space<hbm>>
      %dma_wait3A_91 = arith.constant 0 : i32
      %dma_wait3A_92 = tpu.memref_slice %arg16[%rem3A_83, %dma_wait3A_91] : memref<16x64xf32, #tpu.memory_space<vmem>> -> memref<1x64xf32, #tpu.memory_space<vmem>>
      tpu.wait_dma2 semaphore(%arg18 : memref<!tpu.dma_semaphore, #tpu.memory_space<semaphore_mem>>) src(%dma_wait3A_92 : memref<1x64xf32, #tpu.memory_space<vmem>>) dst(%dma_wait3A_90 : memref<1x64xf32, #tpu.memory_space<hbm>>)
    }
    %broadcast_in_dim3A_41 = arith.constant 0 : i32
    %broadcast_in_dim3A_42 = vector.broadcast %broadcast_in_dim3A_41 : i32 to vector<16xi32>
    %gather3A_43 = tpu.vector_load_idx %arg13[%broadcast_in_dim3A_42] : memref<512xi32, #tpu.memory_space<vmem>>[vector<16xi32>], vector<16xi32>,
    %slice3A_44 = vector.extract_strided_slice %gather3A_43 {offsets = [0], sizes = [1], strides = [1]} : vector<16xi32> to vector<1xi32>
    %squeeze3A_45 = vector.extract %slice3A_44[0] : i32 from vector<1xi32>
    %shift_right_logical3A_46 = arith.constant 7 : i32
    %shift_right_logical3A_47 = arith.shrui %squeeze3A_45, %shift_right_logical3A_46 : i32
    %broadcast_in_dim3A_48 = arith.constant 511 : i32
    %broadcast_in_dim3A_49 = vector.broadcast %broadcast_in_dim3A_48 : i32 to vector<16xi32>
    %gather3A_50 = tpu.vector_load_idx %arg13[%broadcast_in_dim3A_49] : memref<512xi32, #tpu.memory_space<vmem>>[vector<16xi32>], vector<16xi32>,
    %slice3A_51 = vector.extract_strided_slice %gather3A_50 {offsets = [0], sizes = [1], strides = [1]} : vector<16xi32> to vector<1xi32>
    %squeeze3A_52 = vector.extract %slice3A_51[0] : i32 from vector<1xi32>
    %shift_right_logical3A_53 = arith.constant 7 : i32
    %shift_right_logical3A_54 = arith.shrui %squeeze3A_52, %shift_right_logical3A_53 : i32
    %sub3A_55 = arith.subi %shift_right_logical3A_54, %shift_right_logical3A_47 : i32
    %add3A_56 = arith.constant 1 : i32
    %add3A_57 = arith.addi %sub3A_55, %add3A_56 : i32
    %while3A_58 = arith.constant 0 : i32
    %while3A_59 = arith.constant 0 : i32
    %while3A_60:2 = scf.while (%while3A_82 = %while3A_58, %while3A_83 = %while3A_59) : (i32, i32) -> (i32, i32) {
      %lt3A = arith.cmpi slt, %while3A_83, %add3A_57 : i32
      %add3A_84 = arith.constant 12 : i32
      %add3A_85 = arith.addi %while3A_82, %add3A_84 : i32
      %sub3A_86 = arith.constant 1 : i32
      %sub3A_87 = arith.subi %add3A_85, %sub3A_86 : i32
      %lt3A_88 = arith.cmpi slt, %while3A_83, %sub3A_87 : i32
      %and3A = arith.andi %lt3A, %lt3A_88 : i1
      scf.condition(%and3A) %while3A_82, %while3A_83 : i32, i32
    } do {
    ^bb0(%while3A_82: i32, %while3A_83: i32):
      %add3A_84 = arith.addi %shift_right_logical3A_47, %while3A_83 : i32
      %mul3A_85 = arith.constant 128 : i32
      %mul3A_86 = arith.muli %add3A_84, %mul3A_85 : i32
      %multiple_of3A = tpu.assume_multiple %mul3A_86, 128 : i32
      %rem3A = arith.constant 12 : i32
      %rem3A_87 = arith.remsi %while3A_83, %rem3A : i32
      %dma_start3A = arith.constant 0 : i32
      %dma_start3A_88 = arith.constant 0 : i32
      %dma_start3A_89 = tpu.memref_slice %arg15[%rem3A_87, %dma_start3A, %dma_start3A_88] : memref<12x64x128xf32, #tpu.memory_space<vmem>> -> memref<1x64x128xf32, #tpu.memory_space<vmem>>
      %dma_start3A_90 = tpu.memref_squeeze %dma_start3A_89 : memref<1x64x128xf32, #tpu.memory_space<vmem>> -> memref<64x128xf32, #tpu.memory_space<vmem>>
      %dma_start3A_91 = arith.constant 0 : i32
      %dma_start3A_92 = tpu.memref_slice %arg7[%dma_start3A_91, %multiple_of3A] : memref<64x1000001xf32, #tpu.memory_space<hbm>> -> memref<64x128xf32, #tpu.memory_space<hbm>>
      %dma_start3A_93 = arith.constant 0 : i32
      %dma_start3A_94 = arith.constant 0 : i32
      %dma_start3A_95 = tpu.memref_slice %arg15[%rem3A_87, %dma_start3A_93, %dma_start3A_94] : memref<12x64x128xf32, #tpu.memory_space<vmem>> -> memref<1x64x128xf32, #tpu.memory_space<vmem>>
      %dma_start3A_96 = tpu.memref_squeeze %dma_start3A_95 : memref<1x64x128xf32, #tpu.memory_space<vmem>> -> memref<64x128xf32, #tpu.memory_space<vmem>>
      %dma_start3A_97 = arith.constant 0 : i32
      %dma_start3A_98 = tpu.memref_slice %arg7[%dma_start3A_97, %multiple_of3A] : memref<64x1000001xf32, #tpu.memory_space<hbm>> -> memref<64x128xf32, #tpu.memory_space<hbm>>
      tpu.enqueue_dma source(%dma_start3A_98 : memref<64x128xf32, #tpu.memory_space<hbm>>) target(%dma_start3A_96 : memref<64x128xf32, #tpu.memory_space<vmem>>) target_semaphore(%arg17 : memref<!tpu.dma_semaphore, #tpu.memory_space<semaphore_mem>>)
      %add3A_99 = arith.constant 1 : i32
      %add3A_100 = arith.addi %while3A_83, %add3A_99 : i32
      scf.yield %while3A_82, %add3A_100 : i32, i32
    }
    %scan3A_61 = arith.constant 16384 : i32
    %scan3A_62 = arith.constant 0 : i32
    %scan3A_63 = arith.constant 512 : i32
    %scan3A_64 = arith.addi %scan3A_62, %scan3A_63 : i32
    %scan3A_65 = arith.constant 1 : i32
    %scan3A_66:2 = scf.for %scan3A_82 = %scan3A_62 to %scan3A_64 step %scan3A_65 iter_args(%scan3A_83 = %while3A_60#0, %scan3A_84 = %while3A_60#1) -> (i32, i32)  : i32 {
      %broadcast_in_dim3A_85 = vector.broadcast %scan3A_82 : i32 to vector<16xi32>
      %gather3A_86 = tpu.vector_load_idx %arg13[%broadcast_in_dim3A_85] : memref<512xi32, #tpu.memory_space<vmem>>[vector<16xi32>], vector<16xi32>,
      %slice3A_87 = vector.extract_strided_slice %gather3A_86 {offsets = [0], sizes = [1], strides = [1]} : vector<16xi32> to vector<1xi32>
      %squeeze3A_88 = vector.extract %slice3A_87[0] : i32 from vector<1xi32>
      %broadcast_in_dim3A_89 = vector.broadcast %scan3A_82 : i32 to vector<16xi32>
      %gather3A_90 = tpu.vector_load_idx %arg14[%broadcast_in_dim3A_89] : memref<512xi32, #tpu.memory_space<vmem>>[vector<16xi32>], vector<16xi32>,
      %slice3A_91 = vector.extract_strided_slice %gather3A_90 {offsets = [0], sizes = [1], strides = [1]} : vector<16xi32> to vector<1xi32>
      %squeeze3A_92 = vector.extract %slice3A_91[0] : i32 from vector<1xi32>
      %shift_right_logical3A_93 = arith.constant 7 : i32
      %shift_right_logical3A_94 = arith.shrui %squeeze3A_88, %shift_right_logical3A_93 : i32
      %sub3A_95 = arith.subi %shift_right_logical3A_94, %shift_right_logical3A_47 : i32
      %add3A_96 = arith.constant 1 : i32
      %add3A_97 = arith.addi %sub3A_95, %add3A_96 : i32
      %while3A_98 = scf.while (%while3A_148 = %scan3A_83) : (i32) -> i32 {
        %lt3A_149 = arith.cmpi slt, %while3A_148, %add3A_97 : i32
        scf.condition(%lt3A_149) %while3A_148 : i32
      } do {
      ^bb0(%while3A_148: i32):
        %rem3A_149 = arith.constant 12 : i32
        %rem3A_150 = arith.remsi %while3A_148, %rem3A_149 : i32
        %dma_wait3A = arith.constant 0 : i32
        %dma_wait3A_151 = arith.constant 0 : i32
        %dma_wait3A_152 = tpu.memref_slice %arg15[%rem3A_150, %dma_wait3A, %dma_wait3A_151] : memref<12x64x128xf32, #tpu.memory_space<vmem>> -> memref<1x64x128xf32, #tpu.memory_space<vmem>>
        %dma_wait3A_153 = tpu.memref_squeeze %dma_wait3A_152 : memref<1x64x128xf32, #tpu.memory_space<vmem>> -> memref<64x128xf32, #tpu.memory_space<vmem>>
        %dma_wait3A_154 = arith.constant 0 : i32
        %dma_wait3A_155 = arith.constant 0 : i32
        %dma_wait3A_156 = tpu.memref_slice %arg7[%dma_wait3A_154, %dma_wait3A_155] : memref<64x1000001xf32, #tpu.memory_space<hbm>> -> memref<64x128xf32, #tpu.memory_space<hbm>>
        %dma_wait3A_157 = arith.constant 0 : i32
        %dma_wait3A_158 = arith.constant 0 : i32
        %dma_wait3A_159 = tpu.memref_slice %arg15[%rem3A_150, %dma_wait3A_157, %dma_wait3A_158] : memref<12x64x128xf32, #tpu.memory_space<vmem>> -> memref<1x64x128xf32, #tpu.memory_space<vmem>>
        %dma_wait3A_160 = tpu.memref_squeeze %dma_wait3A_159 : memref<1x64x128xf32, #tpu.memory_space<vmem>> -> memref<64x128xf32, #tpu.memory_space<vmem>>
        %dma_wait3A_161 = arith.constant 0 : i32
        %dma_wait3A_162 = arith.constant 0 : i32
        %dma_wait3A_163 = tpu.memref_slice %arg7[%dma_wait3A_161, %dma_wait3A_162] : memref<64x1000001xf32, #tpu.memory_space<hbm>> -> memref<64x128xf32, #tpu.memory_space<hbm>>
        tpu.wait_dma2 semaphore(%arg17 : memref<!tpu.dma_semaphore, #tpu.memory_space<semaphore_mem>>) src(%dma_wait3A_163 : memref<64x128xf32, #tpu.memory_space<hbm>>) dst(%dma_wait3A_160 : memref<64x128xf32, #tpu.memory_space<vmem>>)
        %add3A_164 = arith.constant 1 : i32
        %add3A_165 = arith.addi %while3A_148, %add3A_164 : i32
        scf.yield %add3A_165 : i32
      }
      %while3A_99:2 = scf.while (%while3A_148 = %while3A_98, %while3A_149 = %scan3A_84) : (i32, i32) -> (i32, i32) {
        %lt3A_150 = arith.cmpi slt, %while3A_149, %add3A_57 : i32
        %add3A_151 = arith.constant 12 : i32
        %add3A_152 = arith.addi %while3A_148, %add3A_151 : i32
        %sub3A_153 = arith.constant 1 : i32
        %sub3A_154 = arith.subi %add3A_152, %sub3A_153 : i32
        %lt3A_155 = arith.cmpi slt, %while3A_149, %sub3A_154 : i32
        %and3A_156 = arith.andi %lt3A_150, %lt3A_155 : i1
        scf.condition(%and3A_156) %while3A_148, %while3A_149 : i32, i32
      } do {
      ^bb0(%while3A_148: i32, %while3A_149: i32):
        %add3A_150 = arith.addi %shift_right_logical3A_47, %while3A_149 : i32
        %mul3A_151 = arith.constant 128 : i32
        %mul3A_152 = arith.muli %add3A_150, %mul3A_151 : i32
        %multiple_of3A = tpu.assume_multiple %mul3A_152, 128 : i32
        %rem3A_153 = arith.constant 12 : i32
        %rem3A_154 = arith.remsi %while3A_149, %rem3A_153 : i32
        %dma_start3A = arith.constant 0 : i32
        %dma_start3A_155 = arith.constant 0 : i32
        %dma_start3A_156 = tpu.memref_slice %arg15[%rem3A_154, %dma_start3A, %dma_start3A_155] : memref<12x64x128xf32, #tpu.memory_space<vmem>> -> memref<1x64x128xf32, #tpu.memory_space<vmem>>
        %dma_start3A_157 = tpu.memref_squeeze %dma_start3A_156 : memref<1x64x128xf32, #tpu.memory_space<vmem>> -> memref<64x128xf32, #tpu.memory_space<vmem>>
        %dma_start3A_158 = arith.constant 0 : i32
        %dma_start3A_159 = tpu.memref_slice %arg7[%dma_start3A_158, %multiple_of3A] : memref<64x1000001xf32, #tpu.memory_space<hbm>> -> memref<64x128xf32, #tpu.memory_space<hbm>>
        %dma_start3A_160 = arith.constant 0 : i32
        %dma_start3A_161 = arith.constant 0 : i32
        %dma_start3A_162 = tpu.memref_slice %arg15[%rem3A_154, %dma_start3A_160, %dma_start3A_161] : memref<12x64x128xf32, #tpu.memory_space<vmem>> -> memref<1x64x128xf32, #tpu.memory_space<vmem>>
        %dma_start3A_163 = tpu.memref_squeeze %dma_start3A_162 : memref<1x64x128xf32, #tpu.memory_space<vmem>> -> memref<64x128xf32, #tpu.memory_space<vmem>>
        %dma_start3A_164 = arith.constant 0 : i32
        %dma_start3A_165 = tpu.memref_slice %arg7[%dma_start3A_164, %multiple_of3A] : memref<64x1000001xf32, #tpu.memory_space<hbm>> -> memref<64x128xf32, #tpu.memory_space<hbm>>
        tpu.enqueue_dma source(%dma_start3A_165 : memref<64x128xf32, #tpu.memory_space<hbm>>) target(%dma_start3A_163 : memref<64x128xf32, #tpu.memory_space<vmem>>) target_semaphore(%arg17 : memref<!tpu.dma_semaphore, #tpu.memory_space<semaphore_mem>>)
        %add3A_166 = arith.constant 1 : i32
        %add3A_167 = arith.addi %while3A_149, %add3A_166 : i32
        scf.yield %while3A_148, %add3A_167 : i32, i32
      }
      %shift_right_logical3A_100 = arith.constant 7 : i32
      %shift_right_logical3A_101 = arith.shrui %squeeze3A_88, %shift_right_logical3A_100 : i32
      %sub3A_102 = arith.subi %shift_right_logical3A_101, %shift_right_logical3A_47 : i32
      %rem3A = arith.constant 12 : i32
      %rem3A_103 = arith.remsi %sub3A_102, %rem3A : i32
      %and3A = arith.constant 127 : i32
      %and3A_104 = arith.andi %squeeze3A_88, %and3A : i32
      %rem3A_105 = arith.constant 16 : i32
      %rem3A_106 = arith.remsi %scan3A_82, %rem3A_105 : i32
      %ge3A = arith.constant 16 : i32
      %ge3A_107 = arith.cmpi sge, %scan3A_82, %ge3A : i32
      %convert_element_type3A = arith.extui %ge3A_107 : i1 to i32
      %cond3A = arith.constant 0 : i32
      %cond3A_108 = arith.cmpi ne, %convert_element_type3A, %cond3A : i32
      scf.if %cond3A_108 {
        %dma_wait3A = arith.constant 0 : i32
        %dma_wait3A_148 = tpu.memref_slice %arg16[%rem3A_106, %dma_wait3A] : memref<16x64xf32, #tpu.memory_space<vmem>> -> memref<1x64xf32, #tpu.memory_space<vmem>>
        %dma_wait3A_149 = arith.constant 0 : i32
        %dma_wait3A_150 = arith.constant 0 : i32
        %dma_wait3A_151 = tpu.memref_slice %arg9[%dma_wait3A_149, %dma_wait3A_150] : memref<16384x64xf32, #tpu.memory_space<hbm>> -> memref<1x64xf32, #tpu.memory_space<hbm>>
        %dma_wait3A_152 = arith.constant 0 : i32
        %dma_wait3A_153 = arith.constant 0 : i32
        %dma_wait3A_154 = tpu.memref_slice %arg9[%dma_wait3A_152, %dma_wait3A_153] : memref<16384x64xf32, #tpu.memory_space<hbm>> -> memref<1x64xf32, #tpu.memory_space<hbm>>
        %dma_wait3A_155 = arith.constant 0 : i32
        %dma_wait3A_156 = tpu.memref_slice %arg16[%rem3A_106, %dma_wait3A_155] : memref<16x64xf32, #tpu.memory_space<vmem>> -> memref<1x64xf32, #tpu.memory_space<vmem>>
        tpu.wait_dma2 semaphore(%arg18 : memref<!tpu.dma_semaphore, #tpu.memory_space<semaphore_mem>>) src(%dma_wait3A_156 : memref<1x64xf32, #tpu.memory_space<vmem>>) dst(%dma_wait3A_154 : memref<1x64xf32, #tpu.memory_space<hbm>>)
      } else {
      }
      %add3A_109 = arith.constant 0 : i32
      %add3A_110 = vector.broadcast %add3A_109 : i32 to vector<16xi32>
      %add3A_111 = arith.addi %iota3A, %add3A_110 : vector<16xi32>
      %broadcast_in_dim3A_112 = vector.broadcast %rem3A_103 : i32 to vector<16xi32>
      %broadcast_in_dim3A_113 = vector.broadcast %and3A_104 : i32 to vector<16xi32>
      %gather3A_114 = tpu.vector_load_idx %arg15[%broadcast_in_dim3A_112, %add3A_111, %broadcast_in_dim3A_113] : memref<12x64x128xf32, #tpu.memory_space<vmem>>[vector<16xi32>, vector<16xi32>, vector<16xi32>], vector<16xf32>,
      %broadcast_in_dim3A_115 = vector.broadcast %rem3A_106 : i32 to vector<16xi32>
      tpu.vector_store_idx %arg16[%broadcast_in_dim3A_115, %add3A_111], %gather3A_114 : memref<16x64xf32, #tpu.memory_space<vmem>>[vector<16xi32>, vector<16xi32>], vector<16xf32>,
      %add3A_116 = arith.constant 16 : i32
      %add3A_117 = vector.broadcast %add3A_116 : i32 to vector<16xi32>
      %add3A_118 = arith.addi %iota3A, %add3A_117 : vector<16xi32>
      %broadcast_in_dim3A_119 = vector.broadcast %rem3A_103 : i32 to vector<16xi32>
      %broadcast_in_dim3A_120 = vector.broadcast %and3A_104 : i32 to vector<16xi32>
      %gather3A_121 = tpu.vector_load_idx %arg15[%broadcast_in_dim3A_119, %add3A_118, %broadcast_in_dim3A_120] : memref<12x64x128xf32, #tpu.memory_space<vmem>>[vector<16xi32>, vector<16xi32>, vector<16xi32>], vector<16xf32>,
      %broadcast_in_dim3A_122 = vector.broadcast %rem3A_106 : i32 to vector<16xi32>
      tpu.vector_store_idx %arg16[%broadcast_in_dim3A_122, %add3A_118], %gather3A_121 : memref<16x64xf32, #tpu.memory_space<vmem>>[vector<16xi32>, vector<16xi32>], vector<16xf32>,
      %add3A_123 = arith.constant 32 : i32
      %add3A_124 = vector.broadcast %add3A_123 : i32 to vector<16xi32>
      %add3A_125 = arith.addi %iota3A, %add3A_124 : vector<16xi32>
      %broadcast_in_dim3A_126 = vector.broadcast %rem3A_103 : i32 to vector<16xi32>
      %broadcast_in_dim3A_127 = vector.broadcast %and3A_104 : i32 to vector<16xi32>
      %gather3A_128 = tpu.vector_load_idx %arg15[%broadcast_in_dim3A_126, %add3A_125, %broadcast_in_dim3A_127] : memref<12x64x128xf32, #tpu.memory_space<vmem>>[vector<16xi32>, vector<16xi32>, vector<16xi32>], vector<16xf32>,
      %broadcast_in_dim3A_129 = vector.broadcast %rem3A_106 : i32 to vector<16xi32>
      tpu.vector_store_idx %arg16[%broadcast_in_dim3A_129, %add3A_125], %gather3A_128 : memref<16x64xf32, #tpu.memory_space<vmem>>[vector<16xi32>, vector<16xi32>], vector<16xf32>,
      %add3A_130 = arith.constant 48 : i32
      %add3A_131 = vector.broadcast %add3A_130 : i32 to vector<16xi32>
      %add3A_132 = arith.addi %iota3A, %add3A_131 : vector<16xi32>
      %broadcast_in_dim3A_133 = vector.broadcast %rem3A_103 : i32 to vector<16xi32>
      %broadcast_in_dim3A_134 = vector.broadcast %and3A_104 : i32 to vector<16xi32>
      %gather3A_135 = tpu.vector_load_idx %arg15[%broadcast_in_dim3A_133, %add3A_132, %broadcast_in_dim3A_134] : memref<12x64x128xf32, #tpu.memory_space<vmem>>[vector<16xi32>, vector<16xi32>, vector<16xi32>], vector<16xf32>,
      %broadcast_in_dim3A_136 = vector.broadcast %rem3A_106 : i32 to vector<16xi32>
      tpu.vector_store_idx %arg16[%broadcast_in_dim3A_136, %add3A_132], %gather3A_135 : memref<16x64xf32, #tpu.memory_space<vmem>>[vector<16xi32>, vector<16xi32>], vector<16xf32>,
      %lt3A = arith.constant 16384 : i32
      %lt3A_137 = arith.cmpi slt, %squeeze3A_92, %lt3A : i32
      %sub3A_138 = arith.constant 16384 : i32
      %sub3A_139 = arith.subi %squeeze3A_92, %sub3A_138 : i32
      %select_n3A = arith.select %lt3A_137, %squeeze3A_92, %sub3A_139 : i32
      %lt3A_140 = arith.cmpi slt, %squeeze3A_92, %scan3A_61 : i32
      %convert_element_type3A_141 = arith.extui %lt3A_140 : i1 to i32
      %cond3A_142 = arith.constant 0 : i32
      %cond3A_143 = arith.cmpi ne, %convert_element_type3A_141, %cond3A_142 : i32
      scf.if %cond3A_143 {
        %dma_start3A = arith.constant 0 : i32
        %dma_start3A_148 = tpu.memref_slice %arg16[%rem3A_106, %dma_start3A] : memref<16x64xf32, #tpu.memory_space<vmem>> -> memref<1x64xf32, #tpu.memory_space<vmem>>
        %dma_start3A_149 = arith.constant 0 : i32
        %dma_start3A_150 = tpu.memref_slice %arg9[%select_n3A, %dma_start3A_149] : memref<16384x64xf32, #tpu.memory_space<hbm>> -> memref<1x64xf32, #tpu.memory_space<hbm>>
        %dma_start3A_151 = arith.constant 0 : i32
        %dma_start3A_152 = tpu.memref_slice %arg9[%select_n3A, %dma_start3A_151] : memref<16384x64xf32, #tpu.memory_space<hbm>> -> memref<1x64xf32, #tpu.memory_space<hbm>>
        %dma_start3A_153 = arith.constant 0 : i32
        %dma_start3A_154 = tpu.memref_slice %arg16[%rem3A_106, %dma_start3A_153] : memref<16x64xf32, #tpu.memory_space<vmem>> -> memref<1x64xf32, #tpu.memory_space<vmem>>
        tpu.enqueue_dma source(%dma_start3A_154 : memref<1x64xf32, #tpu.memory_space<vmem>>) target(%dma_start3A_152 : memref<1x64xf32, #tpu.memory_space<hbm>>) target_semaphore(%arg18 : memref<!tpu.dma_semaphore, #tpu.memory_space<semaphore_mem>>)
      } else {
      }
      %ge3A_144 = arith.cmpi sge, %squeeze3A_92, %scan3A_61 : i32
      %convert_element_type3A_145 = arith.extui %ge3A_144 : i1 to i32
      %cond3A_146 = arith.constant 0 : i32
      %cond3A_147 = arith.cmpi ne, %convert_element_type3A_145, %cond3A_146 : i32
      scf.if %cond3A_147 {
        %dma_start3A = arith.constant 0 : i32
        %dma_start3A_148 = tpu.memref_slice %arg16[%rem3A_106, %dma_start3A] : memref<16x64xf32, #tpu.memory_space<vmem>> -> memref<1x64xf32, #tpu.memory_space<vmem>>
        %dma_start3A_149 = arith.constant 0 : i32
        %dma_start3A_150 = tpu.memref_slice %arg9[%select_n3A, %dma_start3A_149] : memref<16384x64xf32, #tpu.memory_space<hbm>> -> memref<1x64xf32, #tpu.memory_space<hbm>>
        %dma_start3A_151 = arith.constant 0 : i32
        %dma_start3A_152 = tpu.memref_slice %arg9[%select_n3A, %dma_start3A_151] : memref<16384x64xf32, #tpu.memory_space<hbm>> -> memref<1x64xf32, #tpu.memory_space<hbm>>
        %dma_start3A_153 = arith.constant 0 : i32
        %dma_start3A_154 = tpu.memref_slice %arg16[%rem3A_106, %dma_start3A_153] : memref<16x64xf32, #tpu.memory_space<vmem>> -> memref<1x64xf32, #tpu.memory_space<vmem>>
        tpu.enqueue_dma source(%dma_start3A_154 : memref<1x64xf32, #tpu.memory_space<vmem>>) target(%dma_start3A_152 : memref<1x64xf32, #tpu.memory_space<hbm>>) target_semaphore(%arg18 : memref<!tpu.dma_semaphore, #tpu.memory_space<semaphore_mem>>)
      } else {
      }
      scf.yield %while3A_99#0, %while3A_99#1 : i32, i32
    }
    %scan3A_67 = arith.constant 512 : i32
    %while3A_68 = scf.while (%while3A_82 = %scan3A_66#0) : (i32) -> i32 {
      %lt3A = arith.cmpi slt, %while3A_82, %scan3A_66#1 : i32
      scf.condition(%lt3A) %while3A_82 : i32
    } do {
    ^bb0(%while3A_82: i32):
      %rem3A = arith.constant 12 : i32
      %rem3A_83 = arith.remsi %while3A_82, %rem3A : i32
      %dma_wait3A = arith.constant 0 : i32
      %dma_wait3A_84 = arith.constant 0 : i32
      %dma_wait3A_85 = tpu.memref_slice %arg15[%rem3A_83, %dma_wait3A, %dma_wait3A_84] : memref<12x64x128xf32, #tpu.memory_space<vmem>> -> memref<1x64x128xf32, #tpu.memory_space<vmem>>
      %dma_wait3A_86 = tpu.memref_squeeze %dma_wait3A_85 : memref<1x64x128xf32, #tpu.memory_space<vmem>> -> memref<64x128xf32, #tpu.memory_space<vmem>>
      %dma_wait3A_87 = arith.constant 0 : i32
      %dma_wait3A_88 = arith.constant 0 : i32
      %dma_wait3A_89 = tpu.memref_slice %arg7[%dma_wait3A_87, %dma_wait3A_88] : memref<64x1000001xf32, #tpu.memory_space<hbm>> -> memref<64x128xf32, #tpu.memory_space<hbm>>
      %dma_wait3A_90 = arith.constant 0 : i32
      %dma_wait3A_91 = arith.constant 0 : i32
      %dma_wait3A_92 = tpu.memref_slice %arg15[%rem3A_83, %dma_wait3A_90, %dma_wait3A_91] : memref<12x64x128xf32, #tpu.memory_space<vmem>> -> memref<1x64x128xf32, #tpu.memory_space<vmem>>
      %dma_wait3A_93 = tpu.memref_squeeze %dma_wait3A_92 : memref<1x64x128xf32, #tpu.memory_space<vmem>> -> memref<64x128xf32, #tpu.memory_space<vmem>>
      %dma_wait3A_94 = arith.constant 0 : i32
      %dma_wait3A_95 = arith.constant 0 : i32
      %dma_wait3A_96 = tpu.memref_slice %arg7[%dma_wait3A_94, %dma_wait3A_95] : memref<64x1000001xf32, #tpu.memory_space<hbm>> -> memref<64x128xf32, #tpu.memory_space<hbm>>
      tpu.wait_dma2 semaphore(%arg17 : memref<!tpu.dma_semaphore, #tpu.memory_space<semaphore_mem>>) src(%dma_wait3A_96 : memref<64x128xf32, #tpu.memory_space<hbm>>) dst(%dma_wait3A_93 : memref<64x128xf32, #tpu.memory_space<vmem>>)
      %add3A_97 = arith.constant 1 : i32
      %add3A_98 = arith.addi %while3A_82, %add3A_97 : i32
      scf.yield %add3A_98 : i32
    }
    %min3A_69 = arith.constant 512 : i32
    %min3A_70 = arith.constant 16 : i32
    %min3A_71 = arith.minsi %min3A_69, %min3A_70 : i32
    %while3A_72 = arith.constant 0 : i32
    %while3A_73 = arith.constant 0 : i32
    %while3A_74 = arith.subi %min3A_71, %while3A_73 : i32
    %while3A_75 = arith.addi %while3A_73, %while3A_74 : i32
    %while3A_76 = arith.constant 1 : i32
    %while3A_77 = arith.divsi %while3A_74, %while3A_76 : i32
    %while3A_78 = arith.muli %while3A_77, %while3A_76 : i32
    %while3A_79 = arith.addi %while3A_73, %while3A_78 : i32
    %while3A_80 = arith.constant 1 : i32
    scf.for %while3A_82 = %while3A_73 to %while3A_79 step %while3A_80  : i32 {
      %rem3A = arith.constant 16 : i32
      %rem3A_83 = arith.remsi %while3A_82, %rem3A : i32
      %dma_wait3A = arith.constant 0 : i32
      %dma_wait3A_84 = tpu.memref_slice %arg16[%rem3A_83, %dma_wait3A] : memref<16x64xf32, #tpu.memory_space<vmem>> -> memref<1x64xf32, #tpu.memory_space<vmem>>
      %dma_wait3A_85 = arith.constant 0 : i32
      %dma_wait3A_86 = arith.constant 0 : i32
      %dma_wait3A_87 = tpu.memref_slice %arg9[%dma_wait3A_85, %dma_wait3A_86] : memref<16384x64xf32, #tpu.memory_space<hbm>> -> memref<1x64xf32, #tpu.memory_space<hbm>>
      %dma_wait3A_88 = arith.constant 0 : i32
      %dma_wait3A_89 = arith.constant 0 : i32
      %dma_wait3A_90 = tpu.memref_slice %arg9[%dma_wait3A_88, %dma_wait3A_89] : memref<16384x64xf32, #tpu.memory_space<hbm>> -> memref<1x64xf32, #tpu.memory_space<hbm>>
      %dma_wait3A_91 = arith.constant 0 : i32
      %dma_wait3A_92 = tpu.memref_slice %arg16[%rem3A_83, %dma_wait3A_91] : memref<16x64xf32, #tpu.memory_space<vmem>> -> memref<1x64xf32, #tpu.memory_space<vmem>>
      tpu.wait_dma2 semaphore(%arg18 : memref<!tpu.dma_semaphore, #tpu.memory_space<semaphore_mem>>) src(%dma_wait3A_92 : memref<1x64xf32, #tpu.memory_space<vmem>>) dst(%dma_wait3A_90 : memref<1x64xf32, #tpu.memory_space<hbm>>)
    }
    %while3A_81 = arith.constant 1 : i32
    scf.for %while3A_82 = %while3A_79 to %while3A_75 step %while3A_81  : i32 {
      %rem3A = arith.constant 16 : i32
      %rem3A_83 = arith.remsi %while3A_82, %rem3A : i32
      %dma_wait3A = arith.constant 0 : i32
      %dma_wait3A_84 = tpu.memref_slice %arg16[%rem3A_83, %dma_wait3A] : memref<16x64xf32, #tpu.memory_space<vmem>> -> memref<1x64xf32, #tpu.memory_space<vmem>>
      %dma_wait3A_85 = arith.constant 0 : i32
      %dma_wait3A_86 = arith.constant 0 : i32
      %dma_wait3A_87 = tpu.memref_slice %arg9[%dma_wait3A_85, %dma_wait3A_86] : memref<16384x64xf32, #tpu.memory_space<hbm>> -> memref<1x64xf32, #tpu.memory_space<hbm>>
      %dma_wait3A_88 = arith.constant 0 : i32
      %dma_wait3A_89 = arith.constant 0 : i32
      %dma_wait3A_90 = tpu.memref_slice %arg9[%dma_wait3A_88, %dma_wait3A_89] : memref<16384x64xf32, #tpu.memory_space<hbm>> -> memref<1x64xf32, #tpu.memory_space<hbm>>
      %dma_wait3A_91 = arith.constant 0 : i32
      %dma_wait3A_92 = tpu.memref_slice %arg16[%rem3A_83, %dma_wait3A_91] : memref<16x64xf32, #tpu.memory_space<vmem>> -> memref<1x64xf32, #tpu.memory_space<vmem>>
      tpu.wait_dma2 semaphore(%arg18 : memref<!tpu.dma_semaphore, #tpu.memory_space<semaphore_mem>>) src(%dma_wait3A_92 : memref<1x64xf32, #tpu.memory_space<vmem>>) dst(%dma_wait3A_90 : memref<1x64xf32, #tpu.memory_space<hbm>>)
    }
    return
  }
}

</mosaic_0001>

<sc_bundles>
// kernel: gather_offload_async_start.1
scs
__scs_entry_jumppad:
0x0: {  	(pc) =	sbr.rel $0x88, $3  }
0x1: {  	(tag) =	ssettag $0x0;
	lr =	simm.s32 $0x1  }
0x2: {  	[smem:$0x3F9E] =	sst lr;
	_ =	strace $0xD0000000  }
0x3: {  	_ = 	snop  }
0x4: {  	_ = 	snop  }
0x5: {  	_ = 	snop  }
0x6: {  	_ = 	snop  }
0x7: {  	_ = 	snop  }
__scs_overlays_trampoline_lowered:
0x8: {  	[smem:$0x3FAD] =	sst s0  }
0x9: {  	[smem:$0x3FAE] =	sst s1  }
0xa: {  	[smem:$0x3FAF] =	sst s2  }
0xb: {  	[smem:$0x3FB0] =	sst s3  }
0xc: {  	[smem:$0x3FB1] =	sst s4  }
0xd: {  	[smem:$0x3FB2] =	sst s5  }
0xe: {  	[smem:$0x3FB3] =	sst s6  }
0xf: {  	[smem:$0x3FB4] =	sst s7  }
0x10: {  	[smem:$0x3FB5] =	sst s8  }
0x11: {  	[smem:$0x3FB6] =	sst s9;
	s0 =	simm.s32 @!p0 $0x0  }
0x12: {  	s1 =	sld [smem:$0x3F9C];
	s0 =	simm.s32 @p0 $0x1  }
0x13: {  	[smem:$0x3FB7] =	sst s0;
	s0 =	simm.s32 @!p1 $0x0  }
0x14: {  	s2 =	sld [smem:$0x3F9B];
	s0 =	simm.s32 @p1 $0x1  }
0x15: {  	[smem:$0x3FB8] =	sst s0;
	s0 =	simm.s32 @!p2 $0x0  }
0x16: {  	s3 =	sld [smem:$0x3FDB];
	s0 =	simm.s32 @p2 $0x1  }
0x17: {  	s4 =	simm.s32 $0x1BF5;
	[smem:$0x3FBA] =	sst s0  }
0x18: {  	s0 =	sld [smem:$0x3F9D];
	_ =	swait.ge [sflag:s4], $0x0  }
0x19: {  	s7 =	sld [smem:$0x3F9E]  }
0x1a: {  	s8 =	sadd.s32 $0xFFFFE003, lr  }
0x1b: {  	s9 =	sadd.s32 $0xFFFFFEF7, lr;
	s5 =	simm.s32 $0xFFFFFFFF;
	p2 =	slt.u32 s8, $0xFFFFF086  }
0x1c: {  	p1 =	slt.u32 s9, $0xF7A;
	s5 =	simm.s32 @!p2 $0x0  }
0x1d: {  	s5 =	simm.s32 @p1 $0x1;
	p0 =	seq.s32 s7, s2  }
0x1e: {  	s7 =	smul.u32 @!p0 $0xF7A, s2;
	p2 =	seq.s32 @!p0 s5, $0x0  }
0x1f: {  	s9 =	smul.u32 $0xF7A, s1;
	s8 =	simm.s32 @!p0 $0x1BF5;
	p2 =	por !p2, p0  }
0x20: {  	[sflag:s8] =	ssyncset.s32 @!p0 $0xFFFFF086;
	s6 =	sadd.s32 @!p0 s3, s7;
	s7 =	simm.s32 @!p0 $0x108  }
0x21: {  	s3 =	sadd.s32 s3, s9;
	s6 =	sadd.s32 @!p0 $0x88, s6;
	s7 =	simm.s32 @p2 $0x1082  }
0x22: {  	[simem:s7], [sflag:s8] =	dma.local @!p0 [hbm:s6], $0xF7A  }
0x23: {  	s9 =	sor.u32 $0xD0000000, s2;
	s6 =	simm.s32 $0x108;
	_ =	swait.ge @!p0 [sflag:s8], $0x0  }
0x24: {  	s3 =	sadd.s32 $0x88, s3;
	s6 =	simm.s32 @!p1 $0x1082;
	[sflag:s4] =	ssyncset.s32 $0xFFFFF086  }
0x25: {  	[simem:s6], [sflag:s4] =	dma.local [hbm:s3], $0xF7A  }
0x26: {  	[smem:$0x3F9E] =	sst s1;
	(tag) =	ssettag s2;
	_ =	strace s9  }
0x27: {  	s1 =	sld [smem:$0x3FAE]  }
0x28: {  	s2 =	sld [smem:$0x3FAF]  }
0x29: {  	s4 =	sld [smem:$0x3FB1]  }
0x2a: {  	p0 =	seq.s32 s5, $0x0;
	s5 =	sld [smem:$0x3FB2]  }
0x2b: {  	s6 =	sld [smem:$0x3FB3]  }
0x2c: {  	s7 =	sld [smem:$0x3FB4]  }
0x2d: {  	s3 =	simm.s32 $0x108;
	s8 =	sld [smem:$0x3FB5]  }
0x2e: {  	s3 =	simm.s32 @!p0 $0x1082;
	s9 =	sld [smem:$0x3FB6]  }
0x2f: {  	lr =	sadd.s32 s0, s3;
	s0 =	sld [smem:$0x3FAD]  }
0x30: {  	s3 =	sld [smem:$0x3FB0]  }
0x31: {  	[smem:$0x3FB9] =	sst s10  }
0x32: {  	s10 =	sld [smem:$0x3FB7];
	_ =	sdelay $0x3  }
0x33: {  	p0 =	seq.s32 s10, $0x1;
	s10 =	sld [smem:$0x3FB9];
	_ =	sdelay $0x3  }
0x34: {  	[smem:$0x3FB9] =	sst s10  }
0x35: {  	s10 =	sld [smem:$0x3FB8];
	_ =	sdelay $0x3  }
0x36: {  	p1 =	seq.s32 s10, $0x1;
	s10 =	sld [smem:$0x3FB9];
	_ =	sdelay $0x3  }
0x37: {  	[smem:$0x3FB9] =	sst s10  }
0x38: {  	s10 =	sld [smem:$0x3FBA]  }
0x39: {  	_ = 	snop;
	(pc) =	sbr.ind lr, $3  }
0x3a: {  	_ = 	snop  }
0x3b: {  	_ = 	snop  }
0x3c: {  	p2 =	seq.s32 s10, $0x1;
	s10 =	sld [smem:$0x3FB9]  }
0x3d: {  	_ =	shalt  }
0x3e: {  	_ =	shalt  }
0x3f: {  	_ =	shalt  }
0x40: {  	_ =	shalt  }
0x41: {  	_ =	shalt  }
0x42: {  	_ =	shalt  }
0x43: {  	_ =	shalt  }
0x44: {  	_ =	shalt  }
0x45: {  	_ =	shalt  }
0x46: {  	_ =	shalt  }
0x47: {  	_ =	shalt  }
0x48: {  	_ =	shalt  }
0x49: {  	_ =	shalt  }
0x4a: {  	_ =	shalt  }
0x4b: {  	_ =	shalt  }
0x4c: {  	_ =	shalt  }
0x4d: {  	_ =	shalt  }
0x4e: {  	_ =	shalt  }
0x4f: {  	_ =	shalt  }
0x50: {  	_ =	shalt  }
0x51: {  	_ =	shalt  }
0x52: {  	_ =	shalt  }
0x53: {  	_ =	shalt  }
0x54: {  	_ =	shalt  }
0x55: {  	_ =	shalt  }
0x56: {  	_ =	shalt  }
0x57: {  	_ =	shalt  }
0x58: {  	_ =	shalt  }
0x59: {  	_ =	shalt  }
0x5a: {  	_ =	shalt  }
0x5b: {  	_ =	shalt  }
0x5c: {  	_ =	shalt  }
0x5d: {  	_ =	shalt  }
0x5e: {  	_ =	shalt  }
0x5f: {  	_ =	shalt  }
0x60: {  	_ =	shalt  }
0x61: {  	_ =	shalt  }
0x62: {  	_ =	shalt  }
0x63: {  	_ =	shalt  }
0x64: {  	_ =	shalt  }
0x65: {  	_ =	shalt  }
0x66: {  	_ =	shalt  }
0x67: {  	_ =	shalt  }
0x68: {  	_ =	shalt  }
0x69: {  	_ =	shalt  }
0x6a: {  	_ =	shalt  }
0x6b: {  	_ =	shalt  }
0x6c: {  	_ =	shalt  }
0x6d: {  	_ =	shalt  }
0x6e: {  	_ =	shalt  }
0x6f: {  	_ =	shalt  }
0x70: {  	_ =	shalt  }
0x71: {  	_ =	shalt  }
0x72: {  	_ =	shalt  }
0x73: {  	_ =	shalt  }
0x74: {  	_ =	shalt  }
0x75: {  	_ =	shalt  }
0x76: {  	_ =	shalt  }
0x77: {  	_ =	shalt  }
0x78: {  	_ =	shalt  }
0x79: {  	_ =	shalt  }
0x7a: {  	_ =	shalt  }
0x7b: {  	_ =	shalt  }
0x7c: {  	_ =	shalt  }
0x7d: {  	_ =	shalt  }
0x7e: {  	_ =	shalt  }
0x7f: {  	_ =	shalt  }
0x80: {  	_ =	shalt  }
0x81: {  	_ =	shalt  }
0x82: {  	_ =	shalt  }
0x83: {  	_ =	shalt  }
0x84: {  	_ =	shalt  }
0x85: {  	_ =	shalt  }
0x86: {  	_ =	shalt  }
0x87: {  	_ =	shalt  }
.Lfunc_end0:
.L_simem_size_0:
called_computation.1_lowered:
.L_overlay_start_0:
0x88: {  	s2 =	sld [smem:$0x3FD9]  }
0x89: {  	s3 =	sld [smem:$0x3FFE];
	_ =	sdelay $0x1  }
0x8a: {  	s1 =	srdreg.scid  }
0x8b: {  	s0 =	sand.u32 $0x1, s1  }
0x8c: {  	s16 =	sshll.u32 s0, $0xA;
	s2 =	sadd.s32 s3, s2  }
0x8d: {  	s2 =	sadd.s32 s2, s16  }
0x8e: {  	[smem:$0x3FC5] =	sst s2  }
0x8f: {  	_ = 	snop  }
0x90: {  	(tm) =	ssettm $0x1  }
0x91: {  	s17 =	sld [smem:$0x3FFB];
	_ =	sdelay $0x3  }
0x92: {  	_ =	strace s17  }
0x93: {  	s2 =	sld [smem:$0x3FFC];
	_ =	sdelay $0x3  }
0x94: {  	_ =	strace s2  }
0x95: {  	s2 =	sld [smem:$0x3FFD];
	_ =	sdelay $0x3  }
0x96: {  	_ =	strace s2  }
0x97: {  	_ =	strace $0x8FFFFFFF  }
0x98: {  	s18 =	sld [smem:$0x3FDB];
	_ =	sdelay $0x1  }
0x99: {  	s19 =	simm.s32 $_scs_section_size  }
0x9a: {  	s4 =	simm.s32 $_size__tile_overlayer_lowered;
	s5 =	simm.s32 $_tile_overlayer_lowered  }
0x9b: {  	s22 =	simm.s32 $0x1BFF;
	s21 =	sshll.u32 s5, $0x1;
	s2 =	sadd.s32 s19, s18  }
0x9c: {  	s6 =	simm.s32 $0x0;
	s20 =	sshll.u32 s4, $0x1;
	s4 =	sadd.s32 s21, s2  }
0x9d: {  	[timem:s6], [sflag:s22] =	dma.local [hbm:s4], s20  }
0x9e: {  	_ =	swait.ge [sflag:s22], s20  }
0x9f: {  	s3 =	ssub.s32 $0x0, s20;
	[sflag:s22] =	ssyncset.done $0x0  }
0xa0: {  	[sflag:s22] =	ssyncadd.s32 s3;
	_ =	sdelay $0x1  }
0xa1: {  	s23 =	simm.s32 $0x1B8B  }
0xa2: {  	_ =	swait.ge [sflag:s23], $0x1  }
0xa3: {  	[sflag:s23] =	ssyncset.done $0x0  }
0xa4: {  	s25 =	simm.s32 $0x1B8E;
	s24 =	sld [smem:$0x3FFE];
	[sflag:s23] =	ssyncadd.s32 $0xFFFFFFFF  }
0xa5: {  	s26 =	simm.s32 $execute0_lowered;
	[smem:$0x3FD2] =	sst s25  }
0xa6: {  	s4 =	sshll.u32 s26, $0x1;
	_ =	strace $0x80000046;
	[dreg:$0x1] =	wrdreg $0xFFFFFFFF  }
0xa7: {  	s28 =	simm.s32 $_size_execute0_lowered;
	s2 =	sadd.s32 s2, s4;
	[dreg:$0x0] =	wrdreg $0x0  }
0xa8: {  	s4 =	sshll.u32 s28, $0x1;
	[dreg:$0x2] =	wrdreg s2  }
0xa9: {  	[dreg:$0x3] =	wrdreg s4  }
0xaa: {  	[dreg:$0x4] =	wrdreg $0xC0  }
0xab: {  	_ =	task [dreg:s6], $0x5FFFF  }
0xac: {  	[dreg:$0x1] =	wrdreg $0xFFFFFFFF  }
0xad: {  	[dreg:$0x0] =	wrdreg $0x60  }
0xae: {  	[dreg:$0x2] =	wrdreg s24  }
0xaf: {  	[dreg:$0x3] =	wrdreg $0xA  }
0xb0: {  	_ =	task.clear_ibuf [dreg:s6], $0x4FFFF;
	_ =	strace $0x90000046  }
0xb1: {  	s29 =	simm.s32 $0xA;
	_ =	strace $0x80000048  }
0xb2: {  	_ =	swait.ge [sflag:s29], $0x1  }
0xb3: {  	[sflag:s29] =	ssyncadd.s32 $0xFFFFFFFF  }
0xb4: {  	_ =	strace $0x90000048  }
0xb5: {  	_ =	sfence  }
0xb6: {  	s30 =	sld [smem:$0x0];
	_ =	sdelay $0x2  }
0xb7: {  	s31 =	sshll.u32 s1, $0xD;
	s1 =	sshrl.u32 s1, $0x2  }
0xb8: {  	s3 =	sand.u32 $0x4000, s31;
	s1 =	sadd.s32 s1, s30  }
0xb9: {  	s0 =	sor.u32 s3, s0;
	s1 =	sshll.u32 s1, $0x11  }
0xba: {  	s0 =	sor.u32 s1, s0  }
0xbb: {  	s0 =	sadd.s32 $0x8F2B, s0  }
0xbc: {  	[sflag:s0] =	ssyncadd.remote.s32 $0x1  }
0xbd: {  	_ =	sfence.sel $0xFFFF  }
0xbe: {  	[dreg:$0x0] =	wrdreg $0xFFFFFFFF;
	(pc) =	sbr.abs _section_cstart, $3  }
0xbf: {  	[dreg:$0x1] =	wrdreg $0xFFFFFFFF  }
0xc0: {  	_ =	task.clear_ibuf [dreg:s6], $0x2FFFF;
	_ =	strace $0x9FFFFFFF  }
0xc1: {  	(tm) =	ssettm $0x7FFFFFFF  }
tec
execute0_lowered:
.L_overlay_start_1:
0x0: {  	(tag) =	ssettag $0x1  }
0x1: {  	s0 =	srdreg.scid;
	s5 =	rddreg [dreg:$0x0]  }
0x2: {  	s1 =	stileid.u32;
	s6 =	simm.s32 $0x1;
	s9 =	simm.s32 $0x1  }
0x3: {  	s10 =	simm.s32 $0x3;
	s13 =	simm.s32 $0x0;
	s2 =	sshll.u32 s0, $0x8  }
0x4: {  	s12 =	simm.s32 $0x0;
	s3 =	sshll.u32 s1, $0x9;
	s2 =	sand.u32 $0x100, s2  }
0x5: {  	s0 =	rddreg [dreg:$0x1];
	_ =	strace $0x80000047;
	s2 =	sor.u32 s3, s2  }
0x6: {  	s4 =	sadd.s32 $0x1600, s5;
	[sflag:s6] =	ssyncpa.u1 $0x0;
	s8 =	ssub.s32 $0x4000, s2  }
.Ltmp0:
0x7: {  	s3 =	sadd.s32 $0x600, s5;
	s7 =	sand.u32 $0x1F00, s8;
	(pc) =	sbr.rel .LBB2_1-.Ltmp0, $4  }
0x8: {  	s5 =	sadd.s32 $0x1E00, s5;
	s11 =	smov.u32 s2;
	p0 =	sne.s32 s7, $0x0  }
0x9: {  	s8 =	sshrl.u32 s8, $0xD;
	s7 =	simm.s32 $0x2;
	s9 =	simm.s32 @!p0 $0x0  }
0xa: {  	[sflag:s7] =	ssyncpa.u1 $0x0;
	p0 =	por $0x0, $0x0;
	s8 =	sadd.s32 s9, s8  }
0xb: {  	vm0 =	vmmov $0xffff;
	[sflag:s10] =	ssyncpa.u1 $0x0;
	s10 =	simm.s32 $0x0;
	s9 =	sadd.s32 $0x1, s8  }
.LBB2_4:
0xc: {  	v2 =	vnsel vm1, $0x0, v2  }
0xd: {  	vm1 =	vgt.s32 v0, $0x0;
	v2 =	vmin.u32 v2, $0x3FFF  }
0xe: {  	v0 =	vnsel vm1, $0x0, v0  }
0xf: {  	v0 =	vmin.u32 v0, $0x3FFF  }
0x10: {  	[tilespmem:s15], [sflag:$0x1] =	stream.indirect_vreg.gather [hbm4b:s3+s10], $0x1, v1, vm0, $0x4038;
	[tilespmem:$0x400] =	vst v63  }
0x11: {  	(ifvalue) =	ssetifvalue $0x7FFFFFFF  }
0x12: {  	[tilespmem:s16], [sflag:$0x1] =	stream.indirect_vreg.gather [hbm4b:s3+s10], $0x1, v2, vm0, $0x4038;
	[tilespmem:$0x400] =	vst v63  }
0x13: {  	s29 =	sadd.s32 $0x10, s16;
	(ifvalue) =	ssetifvalue $0x7FFFFFFF  }
0x14: {  	[tilespmem:s29], [sflag:$0x1] =	stream.indirect_vreg.gather [hbm4b:s3+s10], $0x1, v0, vm0, $0x4038;
	[tilespmem:$0x400] =	vst v63  }
0x15: {  	_ =	swait.ge [sflag:s6], $0x100  }
0x16: {  	s30 =	sshrl.u32 s13, $0x3;
	[sflag:s6] =	ssyncset.done $0x0  }
0x17: {  	s31 =	sand.u32 $0x7, s13;
	s15 =	sadd.s32 s5, s30;
	[sflag:s6] =	ssyncadd.s32 $0xFFFFFF00  }
0x18: {  	[hbm4b:s15+s31] =	stream.linear.scatter [tilespmem:s14], [sflag:$0x3], $0x100, $0x38;
	[tilespmem:$0x400] =	vst v63  }
.LBB2_5:
0x19: {  	s15 =	sadd.s32 $0x2000, s11  }
0x1a: {  	p2 =	sgt.s32 s15, $0x3FFF  }
0x1b: {  	s15 =	smov.u32 @p2 s2;
	p2 =	sne.s32 s12, s9  }
.Ltmp1:
0x1c: {  	p1 =	slt.u32 s12, $0x2;
	(pc) =	sbr.rel @!p2 .LBB2_6-.Ltmp1, $4  }
0x1d: {  	s14 =	simm.s32 @!p1 $0x3  }
0x1e: {  	s16 =	sadd.s32 $0x1, s12;
	_ =	swait.ge @!p1 [sflag:s14], $0x100  }
0x1f: {  	s13 =	smov.u32 s11;
	p0 =	por !p0, !p0;
	[sflag:s14] =	ssyncset.done @!p1 $0x0  }
0x20: {  	s12 =	smov.u32 s16;
	s11 =	smov.u32 s15;
	[sflag:s14] =	ssyncadd.s32 @!p1 $0xFFFFFF00  }
.LBB2_1:
0x21: {  	p1 =	sge.u32 s12, s8  }
0x22: {  	s14 =	sxor.u32 @!p1 $0xFFFFFFFF, s12  }
0x23: {  	s31 =	sadd.s32 $0xFFFFFFFF, s12;
	s15 =	sshrl.u32 @!p1 s11, $0x3;
	s14 =	sshll.u32 @!p1 s14, $0x8  }
0x24: {  	s16 =	sand.u32 @!p1 $0x7, s11;
	s15 =	sadd.s32 @!p1 s4, s15;
	s14 =	sand.u32 @!p1 $0x100, s14  }
0x25: {  	[tilespmem:s14], [sflag:$0x2] =	stream.linear.gather @!p1 [hbm4b:s15+s16], $0x100, $0x38;
	[tilespmem:$0x400] =	vst v63  }
0x26: {  	p1 =	sge.u32 s31, s8  }
.Ltmp2:
0x27: {  	_ = 	snop;
	(pc) =	sbr.rel @p1 .LBB2_5-.Ltmp2, $1  }
0x28: {  	_ =	sdelay $0x3  }
0x29: {  	s14 =	simm.s32 $0x1  }
0x2a: {  	_ =	swait.ge [sflag:s7], $0x100;
	s14 =	simm.s32 @!p0 $0x0  }
0x2b: {  	[sflag:s7] =	ssyncset.done $0x0;
	s14 =	sshll.u32 s14, $0x8  }
0x2c: {  	[sflag:s7] =	ssyncadd.s32 $0xFFFFFF00;
	(ifvalue) =	ssetifvalue $0x7FFFFFFF;
	v0 =	vld.msk [tilespmem:s14+$0x0 ss:$0x1], $0xffff;
	_ =	sdelay $0x4  }
0x2d: {  	s15 =	sadd.s32 $0x10, s14;
	vm1 =	vgt.s32 v0, $0x0  }
0x2e: {  	v2 =	vld.msk [tilespmem:s15+$0x0 ss:$0x1], $0xffff;
	v1 =	vnsel vm1, $0x0, v0  }
0x2f: {  	v1 =	vmin.u32 v1, $0x3FFF;
	_ =	sdelay $0x1  }
0x30: {  	s16 =	sshll.u32 s12, $0x8;
	s18 =	simm.s32 $0x20  }
0x31: {  	s16 =	sand.u32 $0x100, s16;
	s17 =	sadd.s32 $0x10, s15;
	s15 =	sor.u32 $0x200, s14  }
0x32: {  	s14 =	sor.u32 $0x200, s16;
	s16 =	sadd.s32 $0x10, s15;
	v0 =	vld.msk [tilespmem:s17+$0x0 ss:$0x1], $0xffff;
	vm1 =	vgt.s32 v2, $0x0;
	(ifvalue) =	ssetifvalue $0x7FFFFFFF  }
.LBB2_3:
0x33: {  	[tilespmem:s15], [sflag:$0x1] =	stream.indirect_vreg.gather [hbm4b:s3+s10], $0x1, v1, vm0, $0x4038;
	[tilespmem:$0x400] =	vst v63  }
0x34: {  	s18 =	sadd.s32 $0x10, s18  }
0x35: {  	v2 =	vnsel vm1, $0x0, v2;
	p1 =	slt.u32 s18, $0xF0  }
.Ltmp3:
0x36: {  	s15 =	smov.u32 s16;
	v1 =	vmin.u32 v2, $0x3FFF;
	(pc) =	sbr.rel @p1 .LBB2_3-.Ltmp3, $3  }
0x37: {  	_ =	sdelay $0x1  }
0x38: {  	s17 =	sadd.s32 $0x10, s17  }
0x39: {  	vm1 =	vgt.s32 v0, $0x0;
	s16 =	sadd.s32 $0x10, s16;
	v2 =	vmov v0;
	(ifvalue) =	ssetifvalue $0x7FFFFFFF;
	v0 =	vld.msk [tilespmem:s17+$0x0 ss:$0x1], $0xffff  }
.Ltmp4:
0x3a: {  	_ = 	snop;
	(pc) =	sbr.rel .LBB2_4-.Ltmp4, $1  }
0x3b: {  	_ =	sdelay $0x3  }
.LBB2_6:
0x3c: {  	_ =	sfence.sel $0x180000  }
0x3d: {  	s2 =	simm.s32 $0x2;
	[bflag:$0x0] =	sbarrier.arrive $0xFFFF  }
0x3e: {  	s30 =	simm.s32 $0x3;
	[sflag:s2] =	ssyncpa.u1 $0x1  }
0x3f: {  	s31 =	simm.s32 $0x1;
	[sflag:s30] =	ssyncpa.u1 $0x1  }
0x40: {  	[sflag:s31] =	ssyncpa.u1 $0x1  }
0x41: {  	p0 =	sne.s32 s1, $0x0;
	_ =	strace $0x90000047  }
0x42: {  	s0 =	sadd.s32 @!p0 $0x100000, s0;
	[bflag:$0x2] =	sbarrier.arrive $0xFFFF  }
0x43: {  	[sflag:s0] =	ssyncadd.tile.s32 @!p0 $0x1;
	_ =	shalt  }
.Lfunc_end2:
_tile_overlayer_lowered:
.L_overlay_start_2:
0x44: {  	(tag) =	ssettag $0x2  }
0x45: {  	s0 =	rddreg [dreg:$0x0];
	s2 =	stileid.u32  }
0x46: {  	s1 =	rddreg [dreg:$0x1];
	p0 =	sne.s32 s2, $0x0  }
0x47: {  	s3 =	rddreg [dreg:$0x2];
	[bflag:$0x3] =	sbarrier.arrive $0xFFFF;
	s2 =	simm.s32 @!p0 $0x1C01  }
0x48: {  	[timem:s3], [sflag:s2] =	dma.local @!p0 [hbm:s0], s1  }
0x49: {  	s0 =	simm.s32 @!p0 $0x1  }
0x4a: {  	_ =	swait.ge @!p0 [sflag:s0], s1  }
0x4b: {  	s1 =	ssub.s32 @!p0 $0x0, s1;
	[sflag:s0] =	ssyncset.done @!p0 $0x0  }
0x4c: {  	[sflag:s0] =	ssyncadd.s32 @!p0 s1  }
0x4d: {  	[bflag:$0x3] =	sbarrier.arrive $0xFFFF  }
0x4e: {  	_ =	shalt  }

// kernel: gather_offload_async_start
scs
__scs_entry_jumppad:
0x0: {  	(pc) =	sbr.rel $0x88, $3  }
0x1: {  	(tag) =	ssettag $0x0;
	lr =	simm.s32 $0x1  }
0x2: {  	[smem:$0x3F9E] =	sst lr;
	_ =	strace $0xD0000000  }
0x3: {  	_ = 	snop  }
0x4: {  	_ = 	snop  }
0x5: {  	_ = 	snop  }
0x6: {  	_ = 	snop  }
0x7: {  	_ = 	snop  }
__scs_overlays_trampoline_lowered:
0x8: {  	[smem:$0x3FAD] =	sst s0  }
0x9: {  	[smem:$0x3FAE] =	sst s1  }
0xa: {  	[smem:$0x3FAF] =	sst s2  }
0xb: {  	[smem:$0x3FB0] =	sst s3  }
0xc: {  	[smem:$0x3FB1] =	sst s4  }
0xd: {  	[smem:$0x3FB2] =	sst s5  }
0xe: {  	[smem:$0x3FB3] =	sst s6  }
0xf: {  	[smem:$0x3FB4] =	sst s7  }
0x10: {  	[smem:$0x3FB5] =	sst s8  }
0x11: {  	[smem:$0x3FB6] =	sst s9;
	s0 =	simm.s32 @!p0 $0x0  }
0x12: {  	s1 =	sld [smem:$0x3F9C];
	s0 =	simm.s32 @p0 $0x1  }
0x13: {  	[smem:$0x3FB7] =	sst s0;
	s0 =	simm.s32 @!p1 $0x0  }
0x14: {  	s2 =	sld [smem:$0x3F9B];
	s0 =	simm.s32 @p1 $0x1  }
0x15: {  	[smem:$0x3FB8] =	sst s0;
	s0 =	simm.s32 @!p2 $0x0  }
0x16: {  	s3 =	sld [smem:$0x3FDB];
	s0 =	simm.s32 @p2 $0x1  }
0x17: {  	s4 =	simm.s32 $0x1BF5;
	[smem:$0x3FBA] =	sst s0  }
0x18: {  	s0 =	sld [smem:$0x3F9D];
	_ =	swait.ge [sflag:s4], $0x0  }
0x19: {  	s7 =	sld [smem:$0x3F9E]  }
0x1a: {  	s8 =	sadd.s32 $0xFFFFE003, lr  }
0x1b: {  	s9 =	sadd.s32 $0xFFFFFEF7, lr;
	s5 =	simm.s32 $0xFFFFFFFF;
	p2 =	slt.u32 s8, $0xFFFFF086  }
0x1c: {  	p1 =	slt.u32 s9, $0xF7A;
	s5 =	simm.s32 @!p2 $0x0  }
0x1d: {  	s5 =	simm.s32 @p1 $0x1;
	p0 =	seq.s32 s7, s2  }
0x1e: {  	s7 =	smul.u32 @!p0 $0xF7A, s2;
	p2 =	seq.s32 @!p0 s5, $0x0  }
0x1f: {  	s9 =	smul.u32 $0xF7A, s1;
	s8 =	simm.s32 @!p0 $0x1BF5;
	p2 =	por !p2, p0  }
0x20: {  	[sflag:s8] =	ssyncset.s32 @!p0 $0xFFFFF086;
	s6 =	sadd.s32 @!p0 s3, s7;
	s7 =	simm.s32 @!p0 $0x108  }
0x21: {  	s3 =	sadd.s32 s3, s9;
	s6 =	sadd.s32 @!p0 $0x88, s6;
	s7 =	simm.s32 @p2 $0x1082  }
0x22: {  	[simem:s7], [sflag:s8] =	dma.local @!p0 [hbm:s6], $0xF7A  }
0x23: {  	s9 =	sor.u32 $0xD0000000, s2;
	s6 =	simm.s32 $0x108;
	_ =	swait.ge @!p0 [sflag:s8], $0x0  }
0x24: {  	s3 =	sadd.s32 $0x88, s3;
	s6 =	simm.s32 @!p1 $0x1082;
	[sflag:s4] =	ssyncset.s32 $0xFFFFF086  }
0x25: {  	[simem:s6], [sflag:s4] =	dma.local [hbm:s3], $0xF7A  }
0x26: {  	[smem:$0x3F9E] =	sst s1;
	(tag) =	ssettag s2;
	_ =	strace s9  }
0x27: {  	s1 =	sld [smem:$0x3FAE]  }
0x28: {  	s2 =	sld [smem:$0x3FAF]  }
0x29: {  	s4 =	sld [smem:$0x3FB1]  }
0x2a: {  	p0 =	seq.s32 s5, $0x0;
	s5 =	sld [smem:$0x3FB2]  }
0x2b: {  	s6 =	sld [smem:$0x3FB3]  }
0x2c: {  	s7 =	sld [smem:$0x3FB4]  }
0x2d: {  	s3 =	simm.s32 $0x108;
	s8 =	sld [smem:$0x3FB5]  }
0x2e: {  	s3 =	simm.s32 @!p0 $0x1082;
	s9 =	sld [smem:$0x3FB6]  }
0x2f: {  	lr =	sadd.s32 s0, s3;
	s0 =	sld [smem:$0x3FAD]  }
0x30: {  	s3 =	sld [smem:$0x3FB0]  }
0x31: {  	[smem:$0x3FB9] =	sst s10  }
0x32: {  	s10 =	sld [smem:$0x3FB7];
	_ =	sdelay $0x3  }
0x33: {  	p0 =	seq.s32 s10, $0x1;
	s10 =	sld [smem:$0x3FB9];
	_ =	sdelay $0x3  }
0x34: {  	[smem:$0x3FB9] =	sst s10  }
0x35: {  	s10 =	sld [smem:$0x3FB8];
	_ =	sdelay $0x3  }
0x36: {  	p1 =	seq.s32 s10, $0x1;
	s10 =	sld [smem:$0x3FB9];
	_ =	sdelay $0x3  }
0x37: {  	[smem:$0x3FB9] =	sst s10  }
0x38: {  	s10 =	sld [smem:$0x3FBA]  }
0x39: {  	_ = 	snop;
	(pc) =	sbr.ind lr, $3  }
0x3a: {  	_ = 	snop  }
0x3b: {  	_ = 	snop  }
0x3c: {  	p2 =	seq.s32 s10, $0x1;
	s10 =	sld [smem:$0x3FB9]  }
0x3d: {  	_ =	shalt  }
0x3e: {  	_ =	shalt  }
0x3f: {  	_ =	shalt  }
0x40: {  	_ =	shalt  }
0x41: {  	_ =	shalt  }
0x42: {  	_ =	shalt  }
0x43: {  	_ =	shalt  }
0x44: {  	_ =	shalt  }
0x45: {  	_ =	shalt  }
0x46: {  	_ =	shalt  }
0x47: {  	_ =	shalt  }
0x48: {  	_ =	shalt  }
0x49: {  	_ =	shalt  }
0x4a: {  	_ =	shalt  }
0x4b: {  	_ =	shalt  }
0x4c: {  	_ =	shalt  }
0x4d: {  	_ =	shalt  }
0x4e: {  	_ =	shalt  }
0x4f: {  	_ =	shalt  }
0x50: {  	_ =	shalt  }
0x51: {  	_ =	shalt  }
0x52: {  	_ =	shalt  }
0x53: {  	_ =	shalt  }
0x54: {  	_ =	shalt  }
0x55: {  	_ =	shalt  }
0x56: {  	_ =	shalt  }
0x57: {  	_ =	shalt  }
0x58: {  	_ =	shalt  }
0x59: {  	_ =	shalt  }
0x5a: {  	_ =	shalt  }
0x5b: {  	_ =	shalt  }
0x5c: {  	_ =	shalt  }
0x5d: {  	_ =	shalt  }
0x5e: {  	_ =	shalt  }
0x5f: {  	_ =	shalt  }
0x60: {  	_ =	shalt  }
0x61: {  	_ =	shalt  }
0x62: {  	_ =	shalt  }
0x63: {  	_ =	shalt  }
0x64: {  	_ =	shalt  }
0x65: {  	_ =	shalt  }
0x66: {  	_ =	shalt  }
0x67: {  	_ =	shalt  }
0x68: {  	_ =	shalt  }
0x69: {  	_ =	shalt  }
0x6a: {  	_ =	shalt  }
0x6b: {  	_ =	shalt  }
0x6c: {  	_ =	shalt  }
0x6d: {  	_ =	shalt  }
0x6e: {  	_ =	shalt  }
0x6f: {  	_ =	shalt  }
0x70: {  	_ =	shalt  }
0x71: {  	_ =	shalt  }
0x72: {  	_ =	shalt  }
0x73: {  	_ =	shalt  }
0x74: {  	_ =	shalt  }
0x75: {  	_ =	shalt  }
0x76: {  	_ =	shalt  }
0x77: {  	_ =	shalt  }
0x78: {  	_ =	shalt  }
0x79: {  	_ =	shalt  }
0x7a: {  	_ =	shalt  }
0x7b: {  	_ =	shalt  }
0x7c: {  	_ =	shalt  }
0x7d: {  	_ =	shalt  }
0x7e: {  	_ =	shalt  }
0x7f: {  	_ =	shalt  }
0x80: {  	_ =	shalt  }
0x81: {  	_ =	shalt  }
0x82: {  	_ =	shalt  }
0x83: {  	_ =	shalt  }
0x84: {  	_ =	shalt  }
0x85: {  	_ =	shalt  }
0x86: {  	_ =	shalt  }
0x87: {  	_ =	shalt  }
.Lfunc_end0:
.L_simem_size_0:
called_computation_lowered:
.L_overlay_start_0:
0x88: {  	s2 =	sld [smem:$0x3FD9]  }
0x89: {  	s3 =	sld [smem:$0x3FFE];
	_ =	sdelay $0x1  }
0x8a: {  	s1 =	srdreg.scid  }
0x8b: {  	s0 =	sand.u32 $0x1, s1  }
0x8c: {  	s15 =	sshll.u32 s0, $0xA;
	s2 =	sadd.s32 s3, s2  }
0x8d: {  	s2 =	sadd.s32 s2, s15  }
0x8e: {  	[smem:$0x3FC5] =	sst s2  }
0x8f: {  	_ = 	snop  }
0x90: {  	s2 =	sld [smem:$0x3FD0];
	_ =	sdelay $0x2  }
0x91: {  	s4 =	simm.s32 $0xB;
	s16 =	simm.s32 $0x10  }
0x92: {  	[smem:s16], [sflag:s4] =	dma.local [hbm:s2], $0x1  }
0x93: {  	_ =	swait.eq [sflag:s4], $0x1  }
0x94: {  	[sflag:s4] =	ssyncset.done $0x0  }
0x95: {  	s17 =	sld [smem:$0x11];
	[sflag:s4] =	ssyncadd.s32 $0xFFFFFFFF  }
0x96: {  	s18 =	sld [smem:$0x12];
	(tm) =	ssettm $0x1  }
0x97: {  	s19 =	sld [smem:$0x3FFB];
	_ =	sdelay $0x3  }
0x98: {  	_ =	strace s19  }
0x99: {  	s2 =	sld [smem:$0x3FFC];
	_ =	sdelay $0x3  }
0x9a: {  	_ =	strace s2  }
0x9b: {  	s2 =	sld [smem:$0x3FFD];
	_ =	sdelay $0x3  }
0x9c: {  	_ =	strace s2  }
0x9d: {  	_ =	strace $0x8FFFFFFF  }
0x9e: {  	s20 =	sld [smem:$0x3FDB];
	_ =	sdelay $0x1  }
0x9f: {  	s5 =	simm.s32 $_scs_section_size  }
0xa0: {  	s6 =	simm.s32 $_size__tile_overlayer_lowered;
	s7 =	simm.s32 $_tile_overlayer_lowered  }
0xa1: {  	s8 =	simm.s32 $0x1BFF;
	s21 =	sshll.u32 s7, $0x1;
	s5 =	sadd.s32 s5, s20  }
0xa2: {  	s22 =	simm.s32 $0x0;
	s6 =	sshll.u32 s6, $0x1;
	s7 =	sadd.s32 s21, s5  }
0xa3: {  	[timem:s22], [sflag:s8] =	dma.local [hbm:s7], s6  }
0xa4: {  	_ =	swait.ge [sflag:s8], s6  }
0xa5: {  	s6 =	ssub.s32 $0x0, s6;
	[sflag:s8] =	ssyncset.done $0x0  }
0xa6: {  	[sflag:s8] =	ssyncadd.s32 s6;
	_ =	sdelay $0x1  }
0xa7: {  	s23 =	simm.s32 $0x1B8B  }
0xa8: {  	_ =	swait.ge [sflag:s23], $0x1  }
0xa9: {  	[sflag:s23] =	ssyncset.done $0x0  }
0xaa: {  	[sflag:s23] =	ssyncadd.s32 $0xFFFFFFFF  }
0xab: {  	s6 =	sld [smem:$0x0]  }
0xac: {  	s7 =	sand.u32 $0xFFFFFFFE, s1  }
0xad: {  	p0 =	sne.s32 s1, s7  }
0xae: {  	s7 =	sshll.u32 @p0 s7, $0xE  }
0xaf: {  	s7 =	sadd.s32 @p0 $0x11B8D, s7;
	s8 =	sshll.u32 @p0 s6, $0x11  }
0xb0: {  	s7 =	sor.u32 @p0 s8, s7  }
0xb1: {  	[sflag:s7] =	ssyncadd.remote.s32 @p0 $0x1;
	_ =	sdelay $0x1  }
0xb2: {  	s7 =	simm.s32 @p0 $0x1B8D  }
0xb3: {  	_ =	swait.eq @p0 [sflag:s7], $0x1  }
0xb4: {  	[sflag:s7] =	ssyncadd.s32 @p0 $0xFFFFFFFF  }
0xb5: {  	s8 =	sshll.u32 @!p0 s1, $0xE  }
0xb6: {  	s8 =	sor.u32 @!p0 $0x4000, s8;
	s7 =	simm.s32 @!p0 $0x1B8D  }
0xb7: {  	s6 =	sshll.u32 @!p0 s6, $0x11;
	s8 =	sadd.s32 @!p0 $0x11B8D, s8;
	_ =	swait.eq @!p0 [sflag:s7], $0x1  }
0xb8: {  	s6 =	sor.u32 @!p0 s6, s8;
	[sflag:s7] =	ssyncadd.s32 @!p0 $0xFFFFFFFF  }
0xb9: {  	s25 =	simm.s32 $0x1B8E;
	s24 =	sld [smem:$0x3FFE];
	[sflag:s6] =	ssyncadd.remote.s32 @!p0 $0x1  }
0xba: {  	s26 =	simm.s32 $execute0_lowered;
	[smem:$0x3FD2] =	sst s25  }
0xbb: {  	s7 =	sshll.u32 s26, $0x1;
	_ =	strace $0x80000049;
	[dreg:$0x1] =	wrdreg $0xFFFFFFFF  }
0xbc: {  	s28 =	simm.s32 $_size_execute0_lowered;
	s5 =	sadd.s32 s5, s7;
	[dreg:$0x0] =	wrdreg $0x0  }
0xbd: {  	s7 =	sshll.u32 s28, $0x1;
	[dreg:$0x2] =	wrdreg s5  }
0xbe: {  	[dreg:$0x3] =	wrdreg s7  }
0xbf: {  	[dreg:$0x4] =	wrdreg $0xC0  }
0xc0: {  	_ =	task [dreg:s22], $0x5FFFF  }
0xc1: {  	[dreg:$0x1] =	wrdreg $0xFFFFFFFF  }
0xc2: {  	[dreg:$0x0] =	wrdreg $0x60  }
0xc3: {  	[dreg:$0x2] =	wrdreg s18  }
0xc4: {  	[dreg:$0x3] =	wrdreg s17  }
0xc5: {  	[dreg:$0x4] =	wrdreg s24  }
0xc6: {  	[dreg:$0x5] =	wrdreg $0x9  }
0xc7: {  	_ =	task.clear_ibuf [dreg:s22], $0x6FFFF;
	_ =	strace $0x90000049  }
0xc8: {  	s29 =	simm.s32 $0x9;
	_ =	strace $0x8000004B  }
0xc9: {  	_ =	swait.ge [sflag:s29], $0x1  }
0xca: {  	[sflag:s29] =	ssyncadd.s32 $0xFFFFFFFF  }
0xcb: {  	_ =	strace $0x9000004B  }
0xcc: {  	_ =	sfence  }
0xcd: {  	s30 =	sld [smem:$0x0];
	_ =	sdelay $0x2  }
0xce: {  	s31 =	sshll.u32 s1, $0xD;
	s1 =	sshrl.u32 s1, $0x2  }
0xcf: {  	s4 =	sand.u32 $0x4000, s31;
	s1 =	sadd.s32 s1, s30  }
0xd0: {  	s0 =	sor.u32 s4, s0;
	s1 =	sshll.u32 s1, $0x11  }
0xd1: {  	s0 =	sor.u32 s1, s0  }
0xd2: {  	s0 =	sadd.s32 $0x8F2B, s0  }
0xd3: {  	[sflag:s0] =	ssyncadd.remote.s32 $0x1  }
0xd4: {  	_ =	sfence.sel $0xFFFF  }
0xd5: {  	[dreg:$0x0] =	wrdreg $0xFFFFFFFF;
	(pc) =	sbr.abs _section_cstart, $3  }
0xd6: {  	[dreg:$0x1] =	wrdreg $0xFFFFFFFF  }
0xd7: {  	_ =	task.clear_ibuf [dreg:s22], $0x2FFFF;
	_ =	strace $0x9FFFFFFF  }
0xd8: {  	(tm) =	ssettm $0x7FFFFFFF  }
0xd9: {  	_ =	shalt  }
tec
execute0_lowered:
.L_overlay_start_1:
0x0: {  	(tag) =	ssettag $0x1  }
0x1: {  	s2 =	rddreg [dreg:$0x0]  }
0x2: {  	s1 =	srdreg.scid;
	s3 =	rddreg [dreg:$0x1]  }
0x3: {  	s0 =	stileid.u32;
	s5 =	rddreg [dreg:$0x2]  }
0x4: {  	s9 =	simm.s32 $0x1;
	s10 =	simm.s32 $0x3;
	s1 =	sshll.u32 s1, $0x9  }
0x5: {  	s13 =	simm.s32 $0x0;
	s4 =	sshll.u32 s0, $0xA;
	s6 =	sand.u32 $0x200, s1  }
0x6: {  	s12 =	simm.s32 $0x0;
	s5 =	sadd.s32 $0x2600, s5;
	s4 =	sor.u32 s4, s6  }
0x7: {  	s1 =	rddreg [dreg:$0x3];
	_ =	strace $0x8000004A;
	s8 =	ssub.s32 $0x8000, s4  }
.Ltmp0:
0x8: {  	s6 =	simm.s32 $0x1;
	s7 =	sand.u32 $0x3E00, s8;
	(pc) =	sbr.rel .LBB2_1-.Ltmp0, $4  }
0x9: {  	[sflag:s6] =	ssyncpa.u1 $0x0;
	s11 =	smov.u32 s4;
	p0 =	sne.s32 s7, $0x0  }
0xa: {  	s8 =	sshrl.u32 s8, $0xE;
	s7 =	simm.s32 $0x2;
	s9 =	simm.s32 @!p0 $0x0  }
0xb: {  	[sflag:s7] =	ssyncpa.u1 $0x0;
	p0 =	por $0x0, $0x0;
	s8 =	sadd.s32 s9, s8  }
0xc: {  	vm0 =	vmmov $0xffff;
	[sflag:s10] =	ssyncpa.u1 $0x0;
	s10 =	simm.s32 $0x0;
	s9 =	sadd.s32 $0x1, s8  }
.LBB2_4:
0xd: {  	v2 =	vnsel vm1, $0x0, v2  }
0xe: {  	vm1 =	vgt.s32 v0, $0x0;
	v2 =	vmin.u32 v2, $0x7FFF  }
0xf: {  	v0 =	vnsel vm1, $0x0, v0  }
0x10: {  	v0 =	vmin.u32 v0, $0x7FFF  }
0x11: {  	[tilespmem:s15], [sflag:$0x1] =	stream.indirect_vreg.gather [hbm4b:s2+s10], $0x1, v1, vm0, $0x4038;
	[tilespmem:$0x800] =	vst v63  }
0x12: {  	(ifvalue) =	ssetifvalue $0x7FFFFFFF  }
0x13: {  	[tilespmem:s16], [sflag:$0x1] =	stream.indirect_vreg.gather [hbm4b:s2+s10], $0x1, v2, vm0, $0x4038;
	[tilespmem:$0x800] =	vst v63  }
0x14: {  	s29 =	sadd.s32 $0x10, s16;
	(ifvalue) =	ssetifvalue $0x7FFFFFFF  }
0x15: {  	[tilespmem:s29], [sflag:$0x1] =	stream.indirect_vreg.gather [hbm4b:s2+s10], $0x1, v0, vm0, $0x4038;
	[tilespmem:$0x800] =	vst v63  }
0x16: {  	_ =	swait.ge [sflag:s6], $0x200  }
0x17: {  	s30 =	sshrl.u32 s13, $0x3;
	[sflag:s6] =	ssyncset.done $0x0  }
0x18: {  	s31 =	sand.u32 $0x7, s13;
	s15 =	sadd.s32 s5, s30;
	[sflag:s6] =	ssyncadd.s32 $0xFFFFFE00  }
0x19: {  	[hbm4b:s15+s31] =	stream.linear.scatter [tilespmem:s14], [sflag:$0x3], $0x200, $0x38;
	[tilespmem:$0x800] =	vst v63  }
.LBB2_5:
0x1a: {  	s15 =	sadd.s32 $0x4000, s11  }
0x1b: {  	p2 =	sgt.s32 s15, $0x7FFF  }
0x1c: {  	s15 =	smov.u32 @p2 s4;
	p2 =	sne.s32 s12, s9  }
.Ltmp1:
0x1d: {  	p1 =	slt.u32 s12, $0x2;
	(pc) =	sbr.rel @!p2 .LBB2_6-.Ltmp1, $4  }
0x1e: {  	s14 =	simm.s32 @!p1 $0x3  }
0x1f: {  	s16 =	sadd.s32 $0x1, s12;
	_ =	swait.ge @!p1 [sflag:s14], $0x200  }
0x20: {  	s13 =	smov.u32 s11;
	p0 =	por !p0, !p0;
	[sflag:s14] =	ssyncset.done @!p1 $0x0  }
0x21: {  	s12 =	smov.u32 s16;
	s11 =	smov.u32 s15;
	[sflag:s14] =	ssyncadd.s32 @!p1 $0xFFFFFE00  }
.LBB2_1:
0x22: {  	p1 =	sge.u32 s12, s8  }
0x23: {  	s14 =	sxor.u32 @!p1 $0xFFFFFFFF, s12  }
0x24: {  	s31 =	sadd.s32 $0xFFFFFFFF, s12;
	s15 =	sshrl.u32 @!p1 s11, $0x3;
	s14 =	sshll.u32 @!p1 s14, $0x9  }
0x25: {  	s16 =	sand.u32 @!p1 $0x7, s11;
	s15 =	sadd.s32 @!p1 s3, s15;
	s14 =	sand.u32 @!p1 $0x200, s14  }
0x26: {  	[tilespmem:s14], [sflag:$0x2] =	stream.linear.gather @!p1 [hbm4b:s15+s16], $0x200, $0x38;
	[tilespmem:$0x800] =	vst v63  }
0x27: {  	p1 =	sge.u32 s31, s8  }
.Ltmp2:
0x28: {  	_ = 	snop;
	(pc) =	sbr.rel @p1 .LBB2_5-.Ltmp2, $1  }
0x29: {  	_ =	sdelay $0x3  }
0x2a: {  	s14 =	simm.s32 $0x1  }
0x2b: {  	_ =	swait.ge [sflag:s7], $0x200;
	s14 =	simm.s32 @!p0 $0x0  }
0x2c: {  	[sflag:s7] =	ssyncset.done $0x0;
	s14 =	sshll.u32 s14, $0x9  }
0x2d: {  	[sflag:s7] =	ssyncadd.s32 $0xFFFFFE00;
	(ifvalue) =	ssetifvalue $0x7FFFFFFF;
	v0 =	vld.msk [tilespmem:s14+$0x0 ss:$0x1], $0xffff;
	_ =	sdelay $0x4  }
0x2e: {  	s15 =	sadd.s32 $0x10, s14;
	vm1 =	vgt.s32 v0, $0x0  }
0x2f: {  	v2 =	vld.msk [tilespmem:s15+$0x0 ss:$0x1], $0xffff;
	v1 =	vnsel vm1, $0x0, v0  }
0x30: {  	v1 =	vmin.u32 v1, $0x7FFF;
	_ =	sdelay $0x1  }
0x31: {  	s16 =	sshll.u32 s12, $0x9;
	s18 =	simm.s32 $0x20  }
0x32: {  	s16 =	sand.u32 $0x200, s16;
	s17 =	sadd.s32 $0x10, s15;
	s15 =	sor.u32 $0x400, s14  }
0x33: {  	s14 =	sor.u32 $0x400, s16;
	s16 =	sadd.s32 $0x10, s15;
	v0 =	vld.msk [tilespmem:s17+$0x0 ss:$0x1], $0xffff;
	vm1 =	vgt.s32 v2, $0x0;
	(ifvalue) =	ssetifvalue $0x7FFFFFFF  }
.LBB2_3:
0x34: {  	[tilespmem:s15], [sflag:$0x1] =	stream.indirect_vreg.gather [hbm4b:s2+s10], $0x1, v1, vm0, $0x4038;
	[tilespmem:$0x800] =	vst v63  }
0x35: {  	s18 =	sadd.s32 $0x10, s18  }
0x36: {  	v2 =	vnsel vm1, $0x0, v2;
	p1 =	slt.u32 s18, $0x1F0  }
.Ltmp3:
0x37: {  	s15 =	smov.u32 s16;
	v1 =	vmin.u32 v2, $0x7FFF;
	(pc) =	sbr.rel @p1 .LBB2_3-.Ltmp3, $3  }
0x38: {  	_ =	sdelay $0x1  }
0x39: {  	s17 =	sadd.s32 $0x10, s17  }
0x3a: {  	vm1 =	vgt.s32 v0, $0x0;
	s16 =	sadd.s32 $0x10, s16;
	v2 =	vmov v0;
	(ifvalue) =	ssetifvalue $0x7FFFFFFF;
	v0 =	vld.msk [tilespmem:s17+$0x0 ss:$0x1], $0xffff  }
.Ltmp4:
0x3b: {  	_ = 	snop;
	(pc) =	sbr.rel .LBB2_4-.Ltmp4, $1  }
0x3c: {  	_ =	sdelay $0x3  }
.LBB2_6:
0x3d: {  	_ =	sfence.sel $0x180000  }
0x3e: {  	s2 =	simm.s32 $0x2;
	[bflag:$0x0] =	sbarrier.arrive $0xFFFF  }
0x3f: {  	s30 =	simm.s32 $0x3;
	[sflag:s2] =	ssyncpa.u1 $0x1  }
0x40: {  	s31 =	simm.s32 $0x1;
	[sflag:s30] =	ssyncpa.u1 $0x1  }
0x41: {  	[sflag:s31] =	ssyncpa.u1 $0x1  }
0x42: {  	p0 =	sne.s32 s0, $0x0;
	_ =	strace $0x9000004A  }
0x43: {  	s0 =	sadd.s32 @!p0 $0x100000, s1;
	[bflag:$0x2] =	sbarrier.arrive $0xFFFF  }
0x44: {  	[sflag:s0] =	ssyncadd.tile.s32 @!p0 $0x1;
	_ =	shalt  }
.Lfunc_end2:
_tile_overlayer_lowered:
.L_overlay_start_2:
0x45: {  	(tag) =	ssettag $0x2  }
0x46: {  	s0 =	rddreg [dreg:$0x0];
	s2 =	stileid.u32  }
0x47: {  	s1 =	rddreg [dreg:$0x1];
	p0 =	sne.s32 s2, $0x0  }
0x48: {  	s3 =	rddreg [dreg:$0x2];
	[bflag:$0x3] =	sbarrier.arrive $0xFFFF;
	s2 =	simm.s32 @!p0 $0x1C01  }
0x49: {  	[timem:s3], [sflag:s2] =	dma.local @!p0 [hbm:s0], s1  }
0x4a: {  	s0 =	simm.s32 @!p0 $0x1  }
0x4b: {  	_ =	swait.ge @!p0 [sflag:s0], s1  }
0x4c: {  	s1 =	ssub.s32 @!p0 $0x0, s1;
	[sflag:s0] =	ssyncset.done @!p0 $0x0  }
0x4d: {  	[sflag:s0] =	ssyncadd.s32 @!p0 s1  }
0x4e: {  	[bflag:$0x3] =	sbarrier.arrive $0xFFFF  }
0x4f: {  	_ =	shalt  }

// kernel: kernel.3.cloned.1.call-start
scs
__scs_entry_jumppad:
0x0: {  	(pc) =	sbr.rel $0x88, $3  }
0x1: {  	(tag) =	ssettag $0x0;
	lr =	simm.s32 $0x1  }
0x2: {  	[smem:$0x3F9E] =	sst lr;
	_ =	strace $0xD0000000  }
0x3: {  	_ = 	snop  }
0x4: {  	_ = 	snop  }
0x5: {  	_ = 	snop  }
0x6: {  	_ = 	snop  }
0x7: {  	_ = 	snop  }
__scs_overlays_trampoline_lowered:
0x8: {  	[smem:$0x3FAD] =	sst s0  }
0x9: {  	[smem:$0x3FAE] =	sst s1  }
0xa: {  	[smem:$0x3FAF] =	sst s2  }
0xb: {  	[smem:$0x3FB0] =	sst s3  }
0xc: {  	[smem:$0x3FB1] =	sst s4  }
0xd: {  	[smem:$0x3FB2] =	sst s5  }
0xe: {  	[smem:$0x3FB3] =	sst s6  }
0xf: {  	[smem:$0x3FB4] =	sst s7  }
0x10: {  	[smem:$0x3FB5] =	sst s8  }
0x11: {  	[smem:$0x3FB6] =	sst s9;
	s0 =	simm.s32 @!p0 $0x0  }
0x12: {  	s1 =	sld [smem:$0x3F9C];
	s0 =	simm.s32 @p0 $0x1  }
0x13: {  	[smem:$0x3FB7] =	sst s0;
	s0 =	simm.s32 @!p1 $0x0  }
0x14: {  	s2 =	sld [smem:$0x3F9B];
	s0 =	simm.s32 @p1 $0x1  }
0x15: {  	[smem:$0x3FB8] =	sst s0;
	s0 =	simm.s32 @!p2 $0x0  }
0x16: {  	s3 =	sld [smem:$0x3FDB];
	s0 =	simm.s32 @p2 $0x1  }
0x17: {  	s4 =	simm.s32 $0x1BF5;
	[smem:$0x3FBA] =	sst s0  }
0x18: {  	s0 =	sld [smem:$0x3F9D];
	_ =	swait.ge [sflag:s4], $0x0  }
0x19: {  	s7 =	sld [smem:$0x3F9E]  }
0x1a: {  	s8 =	sadd.s32 $0xFFFFE003, lr  }
0x1b: {  	s9 =	sadd.s32 $0xFFFFFEF7, lr;
	s5 =	simm.s32 $0xFFFFFFFF;
	p2 =	slt.u32 s8, $0xFFFFF086  }
0x1c: {  	p1 =	slt.u32 s9, $0xF7A;
	s5 =	simm.s32 @!p2 $0x0  }
0x1d: {  	s5 =	simm.s32 @p1 $0x1;
	p0 =	seq.s32 s7, s2  }
0x1e: {  	s7 =	smul.u32 @!p0 $0xF7A, s2;
	p2 =	seq.s32 @!p0 s5, $0x0  }
0x1f: {  	s9 =	smul.u32 $0xF7A, s1;
	s8 =	simm.s32 @!p0 $0x1BF5;
	p2 =	por !p2, p0  }
0x20: {  	[sflag:s8] =	ssyncset.s32 @!p0 $0xFFFFF086;
	s6 =	sadd.s32 @!p0 s3, s7;
	s7 =	simm.s32 @!p0 $0x108  }
0x21: {  	s3 =	sadd.s32 s3, s9;
	s6 =	sadd.s32 @!p0 $0x88, s6;
	s7 =	simm.s32 @p2 $0x1082  }
0x22: {  	[simem:s7], [sflag:s8] =	dma.local @!p0 [hbm:s6], $0xF7A  }
0x23: {  	s9 =	sor.u32 $0xD0000000, s2;
	s6 =	simm.s32 $0x108;
	_ =	swait.ge @!p0 [sflag:s8], $0x0  }
0x24: {  	s3 =	sadd.s32 $0x88, s3;
	s6 =	simm.s32 @!p1 $0x1082;
	[sflag:s4] =	ssyncset.s32 $0xFFFFF086  }
0x25: {  	[simem:s6], [sflag:s4] =	dma.local [hbm:s3], $0xF7A  }
0x26: {  	[smem:$0x3F9E] =	sst s1;
	(tag) =	ssettag s2;
	_ =	strace s9  }
0x27: {  	s1 =	sld [smem:$0x3FAE]  }
0x28: {  	s2 =	sld [smem:$0x3FAF]  }
0x29: {  	s4 =	sld [smem:$0x3FB1]  }
0x2a: {  	p0 =	seq.s32 s5, $0x0;
	s5 =	sld [smem:$0x3FB2]  }
0x2b: {  	s6 =	sld [smem:$0x3FB3]  }
0x2c: {  	s7 =	sld [smem:$0x3FB4]  }
0x2d: {  	s3 =	simm.s32 $0x108;
	s8 =	sld [smem:$0x3FB5]  }
0x2e: {  	s3 =	simm.s32 @!p0 $0x1082;
	s9 =	sld [smem:$0x3FB6]  }
0x2f: {  	lr =	sadd.s32 s0, s3;
	s0 =	sld [smem:$0x3FAD]  }
0x30: {  	s3 =	sld [smem:$0x3FB0]  }
0x31: {  	[smem:$0x3FB9] =	sst s10  }
0x32: {  	s10 =	sld [smem:$0x3FB7];
	_ =	sdelay $0x3  }
0x33: {  	p0 =	seq.s32 s10, $0x1;
	s10 =	sld [smem:$0x3FB9];
	_ =	sdelay $0x3  }
0x34: {  	[smem:$0x3FB9] =	sst s10  }
0x35: {  	s10 =	sld [smem:$0x3FB8];
	_ =	sdelay $0x3  }
0x36: {  	p1 =	seq.s32 s10, $0x1;
	s10 =	sld [smem:$0x3FB9];
	_ =	sdelay $0x3  }
0x37: {  	[smem:$0x3FB9] =	sst s10  }
0x38: {  	s10 =	sld [smem:$0x3FBA]  }
0x39: {  	_ = 	snop;
	(pc) =	sbr.ind lr, $3  }
0x3a: {  	_ = 	snop  }
0x3b: {  	_ = 	snop  }
0x3c: {  	p2 =	seq.s32 s10, $0x1;
	s10 =	sld [smem:$0x3FB9]  }
0x3d: {  	_ =	shalt  }
0x3e: {  	_ =	shalt  }
0x3f: {  	_ =	shalt  }
0x40: {  	_ =	shalt  }
0x41: {  	_ =	shalt  }
0x42: {  	_ =	shalt  }
0x43: {  	_ =	shalt  }
0x44: {  	_ =	shalt  }
0x45: {  	_ =	shalt  }
0x46: {  	_ =	shalt  }
0x47: {  	_ =	shalt  }
0x48: {  	_ =	shalt  }
0x49: {  	_ =	shalt  }
0x4a: {  	_ =	shalt  }
0x4b: {  	_ =	shalt  }
0x4c: {  	_ =	shalt  }
0x4d: {  	_ =	shalt  }
0x4e: {  	_ =	shalt  }
0x4f: {  	_ =	shalt  }
0x50: {  	_ =	shalt  }
0x51: {  	_ =	shalt  }
0x52: {  	_ =	shalt  }
0x53: {  	_ =	shalt  }
0x54: {  	_ =	shalt  }
0x55: {  	_ =	shalt  }
0x56: {  	_ =	shalt  }
0x57: {  	_ =	shalt  }
0x58: {  	_ =	shalt  }
0x59: {  	_ =	shalt  }
0x5a: {  	_ =	shalt  }
0x5b: {  	_ =	shalt  }
0x5c: {  	_ =	shalt  }
0x5d: {  	_ =	shalt  }
0x5e: {  	_ =	shalt  }
0x5f: {  	_ =	shalt  }
0x60: {  	_ =	shalt  }
0x61: {  	_ =	shalt  }
0x62: {  	_ =	shalt  }
0x63: {  	_ =	shalt  }
0x64: {  	_ =	shalt  }
0x65: {  	_ =	shalt  }
0x66: {  	_ =	shalt  }
0x67: {  	_ =	shalt  }
0x68: {  	_ =	shalt  }
0x69: {  	_ =	shalt  }
0x6a: {  	_ =	shalt  }
0x6b: {  	_ =	shalt  }
0x6c: {  	_ =	shalt  }
0x6d: {  	_ =	shalt  }
0x6e: {  	_ =	shalt  }
0x6f: {  	_ =	shalt  }
0x70: {  	_ =	shalt  }
0x71: {  	_ =	shalt  }
0x72: {  	_ =	shalt  }
0x73: {  	_ =	shalt  }
0x74: {  	_ =	shalt  }
0x75: {  	_ =	shalt  }
0x76: {  	_ =	shalt  }
0x77: {  	_ =	shalt  }
0x78: {  	_ =	shalt  }
0x79: {  	_ =	shalt  }
0x7a: {  	_ =	shalt  }
0x7b: {  	_ =	shalt  }
0x7c: {  	_ =	shalt  }
0x7d: {  	_ =	shalt  }
0x7e: {  	_ =	shalt  }
0x7f: {  	_ =	shalt  }
0x80: {  	_ =	shalt  }
0x81: {  	_ =	shalt  }
0x82: {  	_ =	shalt  }
0x83: {  	_ =	shalt  }
0x84: {  	_ =	shalt  }
0x85: {  	_ =	shalt  }
0x86: {  	_ =	shalt  }
0x87: {  	_ =	shalt  }
.Lfunc_end0:
.L_simem_size_0:
called_computation.2_lowered:
.L_overlay_start_0:
0x88: {  	s2 =	sld [smem:$0x3FD9]  }
0x89: {  	s3 =	sld [smem:$0x3FFE];
	_ =	sdelay $0x1  }
0x8a: {  	s1 =	srdreg.scid  }
0x8b: {  	s0 =	sand.u32 $0x1, s1  }
0x8c: {  	s14 =	sshll.u32 s0, $0xA;
	s2 =	sadd.s32 s3, s2  }
0x8d: {  	s2 =	sadd.s32 s2, s14  }
0x8e: {  	[smem:$0x3FC5] =	sst s2  }
0x8f: {  	_ = 	snop  }
0x90: {  	s2 =	sld [smem:$0x3FD0];
	_ =	sdelay $0x1  }
0x91: {  	s15 =	sld [smem:$0x3FC8]  }
0x92: {  	s5 =	simm.s32 $0xB;
	s6 =	simm.s32 $0x10;
	s4 =	sld [smem:$0x3FC7]  }
0x93: {  	[smem:s6], [sflag:s5] =	dma.local [hbm:s2], $0x1  }
0x94: {  	_ =	swait.eq [sflag:s5], $0x1  }
0x95: {  	[sflag:s5] =	ssyncset.done $0x0  }
0x96: {  	[sflag:s5] =	ssyncadd.s32 $0xFFFFFFFF  }
0x97: {  	s16 =	sld [smem:$0x10];
	(tm) =	ssettm $0x1  }
0x98: {  	s17 =	sld [smem:$0x3FFB];
	_ =	sdelay $0x3  }
0x99: {  	_ =	strace s17  }
0x9a: {  	s5 =	sld [smem:$0x3FFC];
	_ =	sdelay $0x3  }
0x9b: {  	_ =	strace s5  }
0x9c: {  	s5 =	sld [smem:$0x3FFD];
	_ =	sdelay $0x3  }
0x9d: {  	_ =	strace s5  }
0x9e: {  	_ =	strace $0x8FFFFFFF  }
0x9f: {  	s18 =	sld [smem:$0x3FDB];
	_ =	sdelay $0x1  }
0xa0: {  	s19 =	simm.s32 $_scs_section_size  }
0xa1: {  	s7 =	simm.s32 $_size__tile_overlayer_lowered;
	s8 =	simm.s32 $_tile_overlayer_lowered  }
0xa2: {  	s22 =	simm.s32 $0x1BFF;
	s21 =	sshll.u32 s8, $0x1;
	s5 =	sadd.s32 s19, s18  }
0xa3: {  	s9 =	simm.s32 $0x0;
	s20 =	sshll.u32 s7, $0x1;
	s7 =	sadd.s32 s21, s5  }
0xa4: {  	[timem:s9], [sflag:s22] =	dma.local [hbm:s7], s20  }
0xa5: {  	_ =	swait.ge [sflag:s22], s20  }
0xa6: {  	s6 =	ssub.s32 $0x0, s20;
	[sflag:s22] =	ssyncset.done $0x0  }
0xa7: {  	[sflag:s22] =	ssyncadd.s32 s6;
	_ =	sdelay $0x1  }
0xa8: {  	s23 =	simm.s32 $0x1B8B  }
0xa9: {  	_ =	swait.ge [sflag:s23], $0x1  }
0xaa: {  	[sflag:s23] =	ssyncset.done $0x0  }
0xab: {  	s25 =	simm.s32 $0x1B8E;
	s24 =	sld [smem:$0x3FFE];
	[sflag:s23] =	ssyncadd.s32 $0xFFFFFFFF  }
0xac: {  	s26 =	simm.s32 $execute0_lowered;
	[smem:$0x3FD2] =	sst s25  }
0xad: {  	s7 =	sshll.u32 s26, $0x1;
	_ =	strace $0x8000004C;
	[dreg:$0x1] =	wrdreg $0xFFFFFFFF  }
0xae: {  	s28 =	simm.s32 $_size_execute0_lowered;
	s5 =	sadd.s32 s5, s7;
	[dreg:$0x0] =	wrdreg $0x0  }
0xaf: {  	s7 =	sshll.u32 s28, $0x1;
	[dreg:$0x2] =	wrdreg s5  }
0xb0: {  	[dreg:$0x3] =	wrdreg s7  }
0xb1: {  	[dreg:$0x4] =	wrdreg $0xC0  }
0xb2: {  	_ =	task [dreg:s9], $0x5FFFF  }
0xb3: {  	[dreg:$0x1] =	wrdreg $0xFFFFFFFF  }
0xb4: {  	[dreg:$0x0] =	wrdreg $0x60  }
0xb5: {  	[dreg:$0x2] =	wrdreg s24  }
0xb6: {  	[dreg:$0x3] =	wrdreg s16  }
0xb7: {  	[dreg:$0x4] =	wrdreg s15  }
0xb8: {  	[dreg:$0x5] =	wrdreg s4  }
0xb9: {  	[dreg:$0x6] =	wrdreg $0x9  }
0xba: {  	_ =	task.clear_ibuf [dreg:s9], $0x7FFFF;
	_ =	strace $0x9000004C  }
0xbb: {  	s29 =	simm.s32 $0x9;
	_ =	strace $0x8000004E  }
0xbc: {  	_ =	swait.ge [sflag:s29], $0x1  }
0xbd: {  	[sflag:s29] =	ssyncadd.s32 $0xFFFFFFFF  }
0xbe: {  	_ =	strace $0x9000004E  }
0xbf: {  	_ =	sfence  }
0xc0: {  	s30 =	sld [smem:$0x0];
	_ =	sdelay $0x2  }
0xc1: {  	s31 =	sshll.u32 s1, $0xD;
	s1 =	sshrl.u32 s1, $0x2  }
0xc2: {  	s3 =	sand.u32 $0x4000, s31;
	s1 =	sadd.s32 s1, s30  }
0xc3: {  	s0 =	sor.u32 s3, s0;
	s1 =	sshll.u32 s1, $0x11  }
0xc4: {  	s0 =	sor.u32 s1, s0  }
0xc5: {  	s0 =	sadd.s32 $0x8F2B, s0  }
0xc6: {  	[sflag:s0] =	ssyncadd.remote.s32 $0x1  }
0xc7: {  	_ =	sfence.sel $0xFFFF  }
0xc8: {  	[dreg:$0x0] =	wrdreg $0xFFFFFFFF;
	(pc) =	sbr.abs _section_cstart, $3  }
0xc9: {  	[dreg:$0x1] =	wrdreg $0xFFFFFFFF  }
0xca: {  	_ =	task.clear_ibuf [dreg:s9], $0x2FFFF;
	_ =	strace $0x9FFFFFFF  }
0xcb: {  	(tm) =	ssettm $0x7FFFFFFF  }
tec
execute0_lowered:
.L_overlay_start_1:
0x0: {  	(tag) =	ssettag $0x1  }
0x1: {  	s0 =	rddreg [dreg:$0x0]  }
0x2: {  	s1 =	rddreg [dreg:$0x1]  }
0x3: {  	s2 =	rddreg [dreg:$0x2]  }
0x4: {  	s3 =	rddreg [dreg:$0x3];
	s5 =	srdreg.scid  }
0x5: {  	s6 =	stileid.u32;
	s4 =	simm.s32 $0x0;
	s13 =	simm.s32 $0x3  }
0x6: {  	s14 =	simm.s32 $0x400;
	s15 =	simm.s32 $0x800;
	s16 =	simm.s32 $0x7A1400  }
0x7: {  	s17 =	simm.s32 $0xA00;
	s18 =	simm.s32 $0xC00;
	s19 =	simm.s32 $0x18C00  }
0x8: {  	s20 =	simm.s32 $0x1;
	s21 =	simm.s32 $0x2;
	s22 =	simm.s32 $0x0  }
0x9: {  	s5 =	sand.u32 $0x1, s5;
	s6 =	sshll.u32 s6, $0x1;
	[smem:$0x7FF] =	sst s4  }
0xa: {  	s7 =	sadd.s32 $0x83600, s0;
	s6 =	sor.u32 s5, s6;
	_ =	strace $0x8000004D  }
0xb: {  	s10 =	ssub.s32 $0x2, s5;
	s5 =	sadd.s32 $0x3600, s0;
	s8 =	sshll.u32 s6, $0x7  }
.Ltmp0:
0xc: {  	s6 =	sshll.u32 s6, $0x6;
	s12 =	sshrl.u32 s10, $0x1;
	(pc) =	sbr.rel .LBB2_1-.Ltmp0, $4  }
0xd: {  	v0 =	vlaneseq.u32;
	s9 =	sadd.s32 s8, s0;
	s11 =	sadd.s32 s6, s0;
	s1 =	sadd.s32 s1, s8  }
0xe: {  	v2 =	vimm.s32 $0x3FF;
	v9 =	vimm.s32 $0x1FF;
	v1 =	vmul.u32 $0x80, v0;
	s6 =	sadd.s32 $0x43600, s0;
	s9 =	sadd.s32 $0x2600, s9;
	[dreg:$0x6] =	wrdreg s1  }
0xf: {  	v4 =	vor.u32 $0x10, v0;
	v6 =	vor.u32 $0x20, v0;
	v8 =	vor.u32 $0x30, v0;
	s30 =	ssub.s32 s10, s12;
	s31 =	sadd.s32 $0x1E00, s11;
	[dreg:$0x5] =	wrdreg s9  }
0x10: {  	v3 =	vor.u32 $0x800, v1;
	v5 =	vor.u32 $0x1000, v1;
	v7 =	vor.u32 $0x1800, v1;
	s11 =	sadd.s32 $0xE00, s11;
	s12 =	smax.u32 s30, $0x1;
	[dreg:$0x7] =	wrdreg s31  }
.LBB2_32:
0x11: {  	[sflag:s20] =	ssyncadd.s32 $0xFFFFE000  }
.LBB2_33:
0x12: {  	_ =	swait.ge [sflag:s21], $0x80  }
0x13: {  	[sflag:s21] =	ssyncset.done $0x0  }
0x14: {  	[sflag:s21] =	ssyncadd.s32 $0xFFFFFF80  }
0x15: {  	_ =	swait.ge [sflag:s21], $0x80  }
0x16: {  	[sflag:s21] =	ssyncset.done $0x0  }
0x17: {  	[sflag:s21] =	ssyncadd.s32 $0xFFFFFF80  }
0x18: {  	_ =	swait.ge [sflag:s21], $0x80  }
0x19: {  	[sflag:s21] =	ssyncset.done $0x0  }
0x1a: {  	[sflag:s21] =	ssyncadd.s32 $0xFFFFFF80  }
0x1b: {  	_ =	swait.ge [sflag:s21], $0x80  }
0x1c: {  	[sflag:s21] =	ssyncset.done $0x0  }
0x1d: {  	[sflag:s21] =	ssyncadd.s32 $0xFFFFFF80  }
0x1e: {  	_ =	swait.ge [sflag:s21], $0x80  }
0x1f: {  	[sflag:s21] =	ssyncset.done $0x0  }
0x20: {  	[sflag:s21] =	ssyncadd.s32 $0xFFFFFF80  }
0x21: {  	_ =	swait.ge [sflag:s21], $0x80  }
0x22: {  	[sflag:s21] =	ssyncset.done $0x0  }
0x23: {  	[sflag:s21] =	ssyncadd.s32 $0xFFFFFF80  }
0x24: {  	_ =	swait.ge [sflag:s21], $0x80  }
0x25: {  	[sflag:s21] =	ssyncset.done $0x0  }
0x26: {  	[sflag:s21] =	ssyncadd.s32 $0xFFFFFF80  }
0x27: {  	_ =	swait.ge [sflag:s21], $0x80  }
0x28: {  	[sflag:s21] =	ssyncset.done $0x0  }
0x29: {  	[sflag:s21] =	ssyncadd.s32 $0xFFFFFF80  }
0x2a: {  	_ =	swait.ge [sflag:s21], $0x80  }
0x2b: {  	[sflag:s21] =	ssyncset.done $0x0  }
0x2c: {  	[sflag:s21] =	ssyncadd.s32 $0xFFFFFF80  }
0x2d: {  	_ =	swait.ge [sflag:s21], $0x80  }
0x2e: {  	[sflag:s21] =	ssyncset.done $0x0  }
0x2f: {  	[sflag:s21] =	ssyncadd.s32 $0xFFFFFF80  }
0x30: {  	_ =	swait.ge [sflag:s21], $0x80  }
0x31: {  	[sflag:s21] =	ssyncset.done $0x0  }
0x32: {  	[sflag:s21] =	ssyncadd.s32 $0xFFFFFF80  }
0x33: {  	_ =	swait.ge [sflag:s21], $0x80  }
0x34: {  	[sflag:s21] =	ssyncset.done $0x0  }
0x35: {  	[sflag:s21] =	ssyncadd.s32 $0xFFFFFF80  }
0x36: {  	_ =	swait.ge [sflag:s21], $0x80  }
0x37: {  	[sflag:s21] =	ssyncset.done $0x0  }
0x38: {  	[sflag:s21] =	ssyncadd.s32 $0xFFFFFF80  }
0x39: {  	_ =	swait.ge [sflag:s21], $0x80  }
0x3a: {  	[sflag:s21] =	ssyncset.done $0x0  }
0x3b: {  	s22 =	sadd.s32 $0x1, s22;
	[sflag:s21] =	ssyncadd.s32 $0xFFFFFF80  }
0x3c: {  	p0 =	seq.s32 s22, s12;
	_ =	swait.ge [sflag:s21], $0x80  }
.Ltmp1:
0x3d: {  	[sflag:s21] =	ssyncset.done $0x0;
	(pc) =	sbr.rel @p0 .LBB2_34-.Ltmp1, $4  }
0x3e: {  	[sflag:s21] =	ssyncadd.s32 $0xFFFFFF80  }
0x3f: {  	_ =	swait.ge [sflag:s21], $0x80  }
0x40: {  	[sflag:s21] =	ssyncset.done $0x0  }
0x41: {  	[sflag:s21] =	ssyncadd.s32 $0xFFFFFF80  }
.LBB2_1:
0x42: {  	s0 =	rddreg [dreg:$0x5]  }
0x43: {  	[tilespmem:s4], [sflag:$0x3] =	stream.linear.gather [hbm4b:s0+s4], $0x400, $0x38;
	[tilespmem:$0x19400] =	vst v63  }
0x44: {  	_ =	swait.ge [sflag:s13], $0x400  }
0x45: {  	[sflag:s13] =	ssyncset.done $0x0  }
0x46: {  	s28 =	rddreg [dreg:$0x6];
	[sflag:s13] =	ssyncadd.s32 $0xFFFFFC00  }
0x47: {  	[tilespmem:s14], [sflag:$0x3] =	stream.linear.gather [hbm4b:s28+s4], $0x400, $0x38;
	[tilespmem:$0x19400] =	vst v63  }
0x48: {  	_ =	swait.ge [sflag:s13], $0x400  }
0x49: {  	[sflag:s13] =	ssyncset.done $0x0  }
0x4a: {  	s29 =	rddreg [dreg:$0x7];
	[sflag:s13] =	ssyncadd.s32 $0xFFFFFC00  }
0x4b: {  	[tilespmem:s15], [sflag:$0x3] =	stream.linear.gather [hbm4b:s29+s4], $0x200, $0x38;
	[tilespmem:$0x19400] =	vst v63  }
0x4c: {  	_ =	swait.ge [sflag:s13], $0x200  }
0x4d: {  	[sflag:s13] =	ssyncset.done $0x0  }
0x4e: {  	[sflag:s13] =	ssyncadd.s32 $0xFFFFFE00  }
0x4f: {  	[tilespmem:s17], [sflag:$0x3] =	stream.linear.gather [hbm4b:s11+s4], $0x200, $0x38;
	[tilespmem:$0x19400] =	vst v63  }
0x50: {  	_ =	swait.ge [sflag:s13], $0x200  }
0x51: {  	[sflag:s13] =	ssyncset.done $0x0  }
0x52: {  	[sflag:s13] =	ssyncadd.s32 $0xFFFFFE00  }
0x53: {  	v10 =	vld.msk [tilespmem:s4+$0x0], $0xffff  }
0x54: {  	v11 =	vld.idx.msk [tilespmem:v2+s4+$0x0], $0xffff;
	_ =	sdelay $0x3  }
0x55: {  	(v2sf) =	vpush v10, $0x0  }
0x56: {  	(v2sf) =	vpush v11, $0x0;
	_ =	sdelay $0xd  }
0x57: {  	s30 =	spop (v2sf)  }
0x58: {  	s1 =	spop (v2sf)  }
0x59: {  	s23 =	sshrl.u32 s30, $0x7;
	s31 =	sshrl.u32 s1, $0x7  }
0x5a: {  	s24 =	ssub.s32 s31, s23  }
0x5b: {  	p0 =	sgt.s32 s24, $0xFFFFFFFF  }
.Ltmp2:
0x5c: {  	_ = 	snop;
	(pc) =	sbr.rel @!p0 .LBB2_2-.Ltmp2, $2  }
0x5d: {  	_ =	sdelay $0x2  }
0x5e: {  	s9 =	simm.s32 $0x0  }
0x5f: {  	s0 =	smin.u32 s24, $0xA  }
0x60: {  	s9 =	sadd.s32 $0x1, s0  }
0x61: {  	p0 =	seq.s32 s9, $0x1  }
.Ltmp3:
0x62: {  	s8 =	sshll.u32 s23, $0x7;
	(pc) =	sbr.rel @p0 .LBB2_2-.Ltmp3, $4  }
0x63: {  	s1 =	sand.u32 $0x1FFFFF80, s8  }
0x64: {  	s0 =	simm.s32 $0xC00;
	s1 =	sadd.s32 s2, s1  }
0x65: {  	[tilespmem:s0], [sflag:$0x1] =	stream.strided.gather [hbm4b:s1+s14], $0x2000, s16, s14, $0x38;
	[tilespmem:$0x19400] =	vst v63  }
0x66: {  	s8 =	sadd.s32 $0x80, s8;
	s1 =	sadd.s32 $0xFFFFFFFF, s9  }
.LBB2_10:
0x67: {  	s26 =	sand.u32 $0x1FFFFF80, s8;
	p0 =	seq.s32 s1, $0x1;
	s1 =	sadd.s32 $0xFFFFFFFF, s1  }
.Ltmp4:
0x68: {  	s0 =	sadd.s32 $0x2000, s0;
	s26 =	sadd.s32 s2, s26;
	(pc) =	sbr.rel @!p0 .LBB2_10-.Ltmp4, $3  }
0x69: {  	[tilespmem:s0], [sflag:$0x1] =	stream.strided.gather [hbm4b:s26+s14], $0x2000, s16, s14, $0x38;
	[tilespmem:$0x19400] =	vst v63  }
0x6a: {  	_ =	sdelay $0x1  }
0x6b: {  	s8 =	sadd.s32 $0x80, s8  }
.LBB2_2:
.Ltmp5:
0x6c: {  	(pc) =	sbr.rel .LBB2_3-.Ltmp5, $2  }
0x6d: {  	_ =	sdelay $0x2  }
0x6e: {  	s26 =	ssub.s32 $0x1, s23;
	s29 =	simm.s32 $0x0;
	s28 =	simm.s32 $0x0  }
.LBB2_8:
0x6f: {  	s9 =	smov.u32 @p0 s9  }
.LBB2_26:
0x70: {  	s1 =	smulhi.u32 $0x2AAAAAAB, s0;
	s8 =	sshra.s32 s0, $0x1F  }
0x71: {  	s8 =	smul.u32 $0x2AAAAAAB, s8;
	_ =	sdelay $0x1  }
0x72: {  	s1 =	sadd.s32 s8, s1  }
0x73: {  	s8 =	sshrl.u32 s1, $0x1F;
	s1 =	sshrl.u32 s1, $0x1  }
0x74: {  	s1 =	sadd.s32 s8, s1  }
0x75: {  	s1 =	smul.u32 $0xC, s1;
	_ =	sdelay $0x1  }
0x76: {  	s8 =	ssub.s32 s0, s1  }
0x77: {  	s10 =	sand.u32 $0x7F, s31;
	s0 =	sshll.u32 s8, $0xD  }
0x78: {  	s0 =	sor.u32 s10, s0  }
0x79: {  	p0 =	slt.u32 s28, $0x10;
	v10 =	vor.u32 s0, v1  }
0x7a: {  	s1 =	simm.s32 @!p0 $0x2  }
0x7b: {  	_ =	swait.ge @!p0 [sflag:s1], $0x80  }
0x7c: {  	s25 =	sand.u32 $0xF, s28;
	[sflag:s1] =	ssyncset.done @!p0 $0x0  }
0x7d: {  	s31 =	sshll.u32 s25, $0x7;
	[sflag:s1] =	ssyncadd.s32 @!p0 $0xFFFFFF80  }
0x7e: {  	v11 =	vor.u32 s31, v0;
	v10 =	vld.idx.msk [tilespmem:v10+s18+$0x0], $0xffff  }
0x7f: {  	v12 =	vor.u32 s0, v3;
	_ =	sdelay $0x3  }
0x80: {  	[tilespmem:v11+s19+$0x0] =	vst.idx.msk $0xffff, v10  }
0x81: {  	v11 =	vor.u32 s31, v4;
	v10 =	vld.idx.msk [tilespmem:v12+s18+$0x0], $0xffff  }
0x82: {  	v62 =	vor.u32 s0, v5;
	_ =	sdelay $0x3  }
0x83: {  	[tilespmem:v11+s19+$0x0] =	vst.idx.msk $0xffff, v10  }
0x84: {  	v11 =	vor.u32 s31, v6;
	v10 =	vld.idx.msk [tilespmem:v62+s18+$0x0], $0xffff  }
0x85: {  	v63 =	vor.u32 s0, v7  }
0x86: {  	p0 =	sgt.s32 s30, $0x3FFF  }
0x87: {  	s0 =	sshll.u32 @p0 s30, $0x7  }
0x88: {  	s8 =	sshll.u32 @!p0 s30, $0x4;
	s0 =	sadd.s32 @p0 $0xFFE00000, s0  }
0x89: {  	s8 =	sand.u32 @!p0 $0x1FFFFFF0, s8;
	s0 =	sshrl.u32 @p0 s0, $0x3;
	[tilespmem:v11+s19+$0x0] =	vst.idx.msk $0xffff, v10  }
0x8a: {  	s28 =	sadd.s32 $0x1, s28;
	s8 =	sadd.s32 @!p0 s5, s8;
	s0 =	sadd.s32 @p0 s7, s0;
	v11 =	vor.u32 s31, v8;
	v10 =	vld.idx.msk [tilespmem:v63+s18+$0x0], $0xffff  }
0x8b: {  	s8 =	smov.u32 @p0 s0;
	p0 =	seq.s32 s28, $0x400  }
.Ltmp6:
0x8c: {  	_ = 	snop;
	(pc) =	sbr.rel @p0 .LBB2_11-.Ltmp6, $3  }
0x8d: {  	_ =	sdelay $0x1  }
0x8e: {  	s1 =	sadd.s32 $0x18C00, s31;
	[tilespmem:v11+s19+$0x0] =	vst.idx.msk $0xffff, v10  }
0x8f: {  	[hbm4b:s8+s4] =	stream.linear.scatter [tilespmem:s1], [sflag:$0x2], $0x80, $0x38;
	[tilespmem:$0x19400] =	vst v63  }
.LBB2_3:
0x90: {  	v10 =	vmov s28;
	_ =	sdelay $0x4  }
0x91: {  	v11 =	vld.idx.msk [tilespmem:v10+s4+$0x0], $0xffff;
	_ =	sdelay $0x4  }
0x92: {  	(v2sf) =	vpush v11, $0x0;
	_ =	sdelay $0x2  }
0x93: {  	v10 =	vld.idx.msk [tilespmem:v10+s14+$0x0], $0xffff;
	_ =	sdelay $0x4  }
0x94: {  	(v2sf) =	vpush v10, $0x0;
	_ =	sdelay $0x6  }
0x95: {  	s31 =	spop (v2sf)  }
0x96: {  	s1 =	sshrl.u32 s31, $0x7  }
0x97: {  	s0 =	ssub.s32 s1, s23  }
0x98: {  	p0 =	sgt.s32 s29, s0  }
.Ltmp7:
0x99: {  	_ = 	snop;
	(pc) =	sbr.rel @p0 .LBB2_7-.Ltmp7, $2  }
0x9a: {  	_ =	sdelay $0x2  }
0x9b: {  	s30 =	spop (v2sf)  }
0x9c: {  	s8 =	sadd.s32 s1, s26  }
0x9d: {  	s8 =	ssub.s32 s8, s29  }
0x9e: {  	p0 =	seq.s32 s8, $0x1  }
.Ltmp8:
0x9f: {  	_ = 	snop;
	(pc) =	sbr.rel @p0 .LBB2_6-.Ltmp8, $3  }
0xa0: {  	_ =	sdelay $0x1  }
0xa1: {  	_ =	swait.ge [sflag:s20], $0x2000  }
0xa2: {  	s1 =	sadd.s32 $0x1, s0;
	[sflag:s20] =	ssyncset.done $0x0;
	s8 =	sadd.s32 $0xFFFFFFFF, s8  }
.LBB2_5:
0xa3: {  	p0 =	seq.s32 s8, $0x1;
	s8 =	sadd.s32 $0xFFFFFFFF, s8;
	[sflag:s20] =	ssyncadd.s32 $0xFFFFE000  }
.Ltmp9:
0xa4: {  	(pc) =	sbr.rel @!p0 .LBB2_5-.Ltmp9, $3  }
0xa5: {  	_ =	sdelay $0x1  }
0xa6: {  	_ =	swait.ge [sflag:s20], $0x2000  }
0xa7: {  	[sflag:s20] =	ssyncset.done $0x0  }
.LBB2_6:
0xa8: {  	[sflag:s20] =	ssyncadd.s32 $0xFFFFE000;
	s29 =	smov.u32 s1  }
.LBB2_7:
0xa9: {  	s1 =	sadd.s32 $0xB, s29;
	p0 =	sgt.s32 s9, s24  }
0xaa: {  	p1 =	sge.s32 @!p0 s9, s1  }
0xab: {  	p1 =	por p0, p1  }
.Ltmp10:
0xac: {  	_ = 	snop;
	(pc) =	sbr.rel @p1 .LBB2_8-.Ltmp10, $1  }
0xad: {  	_ =	sdelay $0x3  }
0xae: {  	s8 =	sadd.s32 s9, s23  }
0xaf: {  	s8 =	sshll.u32 s8, $0x7  }
.LBB2_24:
0xb0: {  	s25 =	smov.u32 s9  }
0xb1: {  	s9 =	smulhi.u32 $0x2AAAAAAB, s9;
	s10 =	sshra.s32 s25, $0x1F  }
0xb2: {  	s10 =	smul.u32 $0x2AAAAAAB, s10;
	_ =	sdelay $0x1  }
0xb3: {  	s9 =	sadd.s32 s10, s9  }
0xb4: {  	s10 =	sshrl.u32 s9, $0x1F;
	s9 =	sshrl.u32 s9, $0x1  }
0xb5: {  	s9 =	sadd.s32 s10, s9  }
0xb6: {  	s9 =	smul.u32 $0xC, s9;
	_ =	sdelay $0x1  }
0xb7: {  	s9 =	ssub.s32 s25, s9  }
0xb8: {  	s9 =	sshll.u32 s9, $0xF  }
0xb9: {  	s10 =	sand.u32 $0x1FFFFF80, s8;
	s9 =	sshra.s32 s9, $0x2  }
0xba: {  	s10 =	sadd.s32 s2, s10;
	s9 =	sor.u32 $0xC00, s9  }
0xbb: {  	[tilespmem:s9], [sflag:$0x1] =	stream.strided.gather [hbm4b:s10+s14], $0x2000, s16, s14, $0x38;
	[tilespmem:$0x19400] =	vst v63  }
0xbc: {  	p0 =	sge.s32 s25, s24;
	s9 =	sadd.s32 $0x1, s25  }
0xbd: {  	p1 =	slt.s32 @!p0 s9, s1  }
0xbe: {  	p1 =	por p0, !p1  }
.Ltmp11:
0xbf: {  	_ = 	snop;
	(pc) =	sbr.rel @!p1 .LBB2_24-.Ltmp11, $2  }
0xc0: {  	_ =	sdelay $0x2  }
0xc1: {  	s8 =	sadd.s32 $0x80, s8  }
.Ltmp12:
0xc2: {  	(pc) =	sbr.rel .LBB2_26-.Ltmp12, $2  }
0xc3: {  	_ =	sdelay $0x2  }
0xc4: {  	s9 =	smov.u32 @p0 s9  }
.LBB2_11:
0xc5: {  	p0 =	sle.s32 s9, s29  }
.Ltmp13:
0xc6: {  	_ = 	snop;
	(pc) =	sbr.rel @p0 .LBB2_15-.Ltmp13, $1  }
0xc7: {  	_ =	sdelay $0x3  }
0xc8: {  	s0 =	ssub.s32 s9, s29  }
0xc9: {  	p0 =	seq.s32 s0, $0x1  }
.Ltmp14:
0xca: {  	_ = 	snop;
	(pc) =	sbr.rel @p0 .LBB2_14-.Ltmp14, $3  }
0xcb: {  	_ =	sdelay $0x1  }
0xcc: {  	_ =	swait.ge [sflag:s20], $0x2000  }
0xcd: {  	s0 =	sadd.s32 $0xFFFFFFFF, s0;
	[sflag:s20] =	ssyncset.done $0x0  }
.LBB2_13:
0xce: {  	p0 =	seq.s32 s0, $0x1;
	s0 =	sadd.s32 $0xFFFFFFFF, s0;
	[sflag:s20] =	ssyncadd.s32 $0xFFFFE000  }
.Ltmp15:
0xcf: {  	(pc) =	sbr.rel @!p0 .LBB2_13-.Ltmp15, $3  }
0xd0: {  	_ =	sdelay $0x1  }
0xd1: {  	_ =	swait.ge [sflag:s20], $0x2000  }
0xd2: {  	[sflag:s20] =	ssyncset.done $0x0  }
.LBB2_14:
0xd3: {  	[sflag:s20] =	ssyncadd.s32 $0xFFFFE000  }
.LBB2_15:
0xd4: {  	_ =	swait.ge [sflag:s21], $0x80  }
0xd5: {  	[sflag:s21] =	ssyncset.done $0x0  }
0xd6: {  	[sflag:s21] =	ssyncadd.s32 $0xFFFFFF80  }
0xd7: {  	_ =	swait.ge [sflag:s21], $0x80  }
0xd8: {  	[sflag:s21] =	ssyncset.done $0x0  }
0xd9: {  	[sflag:s21] =	ssyncadd.s32 $0xFFFFFF80  }
0xda: {  	_ =	swait.ge [sflag:s21], $0x80  }
0xdb: {  	[sflag:s21] =	ssyncset.done $0x0  }
0xdc: {  	[sflag:s21] =	ssyncadd.s32 $0xFFFFFF80  }
0xdd: {  	_ =	swait.ge [sflag:s21], $0x80  }
0xde: {  	[sflag:s21] =	ssyncset.done $0x0  }
0xdf: {  	[sflag:s21] =	ssyncadd.s32 $0xFFFFFF80  }
0xe0: {  	_ =	swait.ge [sflag:s21], $0x80  }
0xe1: {  	[sflag:s21] =	ssyncset.done $0x0  }
0xe2: {  	[sflag:s21] =	ssyncadd.s32 $0xFFFFFF80  }
0xe3: {  	_ =	swait.ge [sflag:s21], $0x80  }
0xe4: {  	[sflag:s21] =	ssyncset.done $0x0  }
0xe5: {  	[sflag:s21] =	ssyncadd.s32 $0xFFFFFF80  }
0xe6: {  	_ =	swait.ge [sflag:s21], $0x80  }
0xe7: {  	[sflag:s21] =	ssyncset.done $0x0  }
0xe8: {  	[sflag:s21] =	ssyncadd.s32 $0xFFFFFF80  }
0xe9: {  	_ =	swait.ge [sflag:s21], $0x80  }
0xea: {  	[sflag:s21] =	ssyncset.done $0x0  }
0xeb: {  	[sflag:s21] =	ssyncadd.s32 $0xFFFFFF80  }
0xec: {  	_ =	swait.ge [sflag:s21], $0x80  }
0xed: {  	[sflag:s21] =	ssyncset.done $0x0  }
0xee: {  	[sflag:s21] =	ssyncadd.s32 $0xFFFFFF80  }
0xef: {  	_ =	swait.ge [sflag:s21], $0x80  }
0xf0: {  	[sflag:s21] =	ssyncset.done $0x0  }
0xf1: {  	[sflag:s21] =	ssyncadd.s32 $0xFFFFFF80  }
0xf2: {  	_ =	swait.ge [sflag:s21], $0x80  }
0xf3: {  	[sflag:s21] =	ssyncset.done $0x0  }
0xf4: {  	[sflag:s21] =	ssyncadd.s32 $0xFFFFFF80  }
0xf5: {  	_ =	swait.ge [sflag:s21], $0x80  }
0xf6: {  	[sflag:s21] =	ssyncset.done $0x0  }
0xf7: {  	[sflag:s21] =	ssyncadd.s32 $0xFFFFFF80  }
0xf8: {  	_ =	swait.ge [sflag:s21], $0x80  }
0xf9: {  	[sflag:s21] =	ssyncset.done $0x0  }
0xfa: {  	[sflag:s21] =	ssyncadd.s32 $0xFFFFFF80  }
0xfb: {  	_ =	swait.ge [sflag:s21], $0x80  }
0xfc: {  	[sflag:s21] =	ssyncset.done $0x0  }
0xfd: {  	[sflag:s21] =	ssyncadd.s32 $0xFFFFFF80  }
0xfe: {  	_ =	swait.ge [sflag:s21], $0x80  }
0xff: {  	[sflag:s21] =	ssyncset.done $0x0  }
0x100: {  	[sflag:s21] =	ssyncadd.s32 $0xFFFFFF80  }
0x101: {  	_ =	swait.ge [sflag:s21], $0x80  }
0x102: {  	[sflag:s21] =	ssyncset.done $0x0  }
0x103: {  	[sflag:s21] =	ssyncadd.s32 $0xFFFFFF80  }
0x104: {  	v10 =	vld.msk [tilespmem:s15+$0x0], $0xffff  }
0x105: {  	v11 =	vld.idx.msk [tilespmem:v9+s15+$0x0], $0xffff;
	_ =	sdelay $0x3  }
0x106: {  	(v2sf) =	vpush v10, $0x0  }
0x107: {  	(v2sf) =	vpush v11, $0x0;
	_ =	sdelay $0xd  }
0x108: {  	s0 =	spop (v2sf)  }
0x109: {  	s1 =	spop (v2sf)  }
0x10a: {  	s23 =	sshrl.u32 s0, $0x7;
	s31 =	sshrl.u32 s1, $0x7  }
0x10b: {  	s24 =	ssub.s32 s31, s23  }
0x10c: {  	p0 =	sgt.s32 s24, $0xFFFFFFFF  }
.Ltmp16:
0x10d: {  	_ = 	snop;
	(pc) =	sbr.rel @!p0 .LBB2_16-.Ltmp16, $2  }
0x10e: {  	_ =	sdelay $0x2  }
0x10f: {  	s26 =	simm.s32 $0x0;
	s25 =	simm.s32 $0x0  }
0x110: {  	s0 =	smin.u32 s24, $0xA  }
0x111: {  	s25 =	sadd.s32 $0x1, s0  }
0x112: {  	p0 =	seq.s32 s25, $0x1  }
.Ltmp17:
0x113: {  	s8 =	sshll.u32 s23, $0x7;
	(pc) =	sbr.rel @p0 .LBB2_16-.Ltmp17, $4  }
0x114: {  	s1 =	sand.u32 $0x1FFFFF80, s8  }
0x115: {  	s0 =	simm.s32 $0xC00;
	s1 =	sadd.s32 s3, s1  }
0x116: {  	[tilespmem:s0], [sflag:$0x1] =	stream.strided.gather [hbm4b:s1+s14], $0x2000, s16, s14, $0x38;
	[tilespmem:$0x19400] =	vst v63  }
0x117: {  	s8 =	sadd.s32 $0x80, s8;
	s1 =	sadd.s32 $0xFFFFFFFF, s25  }
.LBB2_28:
0x118: {  	s9 =	sand.u32 $0x1FFFFF80, s8;
	p0 =	seq.s32 s1, $0x1;
	s1 =	sadd.s32 $0xFFFFFFFF, s1  }
.Ltmp18:
0x119: {  	s0 =	sadd.s32 $0x2000, s0;
	s9 =	sadd.s32 s3, s9;
	(pc) =	sbr.rel @!p0 .LBB2_28-.Ltmp18, $3  }
0x11a: {  	[tilespmem:s0], [sflag:$0x1] =	stream.strided.gather [hbm4b:s9+s14], $0x2000, s16, s14, $0x38;
	[tilespmem:$0x19400] =	vst v63  }
0x11b: {  	_ =	sdelay $0x1  }
0x11c: {  	s8 =	sadd.s32 $0x80, s8  }
.LBB2_16:
.Ltmp19:
0x11d: {  	(pc) =	sbr.rel .LBB2_17-.Ltmp19, $2  }
0x11e: {  	_ =	sdelay $0x2  }
0x11f: {  	s28 =	ssub.s32 $0x1, s23;
	s29 =	simm.s32 $0x0  }
.LBB2_22:
0x120: {  	s25 =	smov.u32 @p0 s25  }
.LBB2_38:
0x121: {  	s1 =	smulhi.u32 $0x2AAAAAAB, s0;
	s8 =	sshra.s32 s0, $0x1F  }
0x122: {  	s8 =	smul.u32 $0x2AAAAAAB, s8;
	_ =	sdelay $0x1  }
0x123: {  	s1 =	sadd.s32 s8, s1  }
0x124: {  	s8 =	sshrl.u32 s1, $0x1F;
	s1 =	sshrl.u32 s1, $0x1  }
0x125: {  	s1 =	sadd.s32 s8, s1  }
0x126: {  	s1 =	smul.u32 $0xC, s1;
	_ =	sdelay $0x1  }
0x127: {  	s1 =	ssub.s32 s0, s1  }
0x128: {  	s8 =	sand.u32 $0x7F, s31;
	s0 =	sshll.u32 s1, $0xD  }
0x129: {  	s0 =	sor.u32 s8, s0  }
0x12a: {  	p0 =	slt.u32 s29, $0x10;
	v10 =	vor.u32 s0, v1  }
0x12b: {  	s1 =	simm.s32 @!p0 $0x2  }
0x12c: {  	_ =	swait.ge @!p0 [sflag:s1], $0x80  }
0x12d: {  	s9 =	sand.u32 $0xF, s29;
	[sflag:s1] =	ssyncset.done @!p0 $0x0  }
0x12e: {  	s10 =	sshll.u32 s9, $0x7;
	[sflag:s1] =	ssyncadd.s32 @!p0 $0xFFFFFF80  }
0x12f: {  	v11 =	vor.u32 s10, v0;
	v10 =	vld.idx.msk [tilespmem:v10+s18+$0x0], $0xffff  }
0x130: {  	v12 =	vor.u32 s0, v3;
	_ =	sdelay $0x3  }
0x131: {  	[tilespmem:v11+s19+$0x0] =	vst.idx.msk $0xffff, v10  }
0x132: {  	v11 =	vor.u32 s10, v4;
	v10 =	vld.idx.msk [tilespmem:v12+s18+$0x0], $0xffff  }
0x133: {  	v62 =	vor.u32 s0, v5;
	_ =	sdelay $0x3  }
0x134: {  	[tilespmem:v11+s19+$0x0] =	vst.idx.msk $0xffff, v10  }
0x135: {  	v11 =	vor.u32 s10, v6;
	v10 =	vld.idx.msk [tilespmem:v62+s18+$0x0], $0xffff  }
0x136: {  	v63 =	vor.u32 s0, v7;
	_ =	sdelay $0x1  }
0x137: {  	p0 =	sgt.s32 s30, $0x3FFF  }
0x138: {  	s0 =	sshll.u32 @p0 s30, $0x7  }
0x139: {  	s8 =	sshll.u32 @!p0 s30, $0x4;
	s0 =	sadd.s32 @p0 $0xFFE00000, s0;
	[tilespmem:v11+s19+$0x0] =	vst.idx.msk $0xffff, v10  }
0x13a: {  	s29 =	sadd.s32 $0x1, s29;
	s8 =	sand.u32 @!p0 $0x1FFFFFF0, s8;
	s0 =	sshrl.u32 @p0 s0, $0x3;
	v11 =	vor.u32 s10, v8;
	v10 =	vld.idx.msk [tilespmem:v63+s18+$0x0], $0xffff  }
0x13b: {  	s8 =	smov.u32 @p0 s0;
	p0 =	seq.s32 s29, $0x200  }
.Ltmp20:
0x13c: {  	_ = 	snop;
	(pc) =	sbr.rel @p0 .LBB2_29-.Ltmp20, $3  }
0x13d: {  	_ =	sdelay $0x1  }
0x13e: {  	s30 =	sadd.s32 $0x18C00, s10;
	s31 =	sadd.s32 s6, s8;
	[tilespmem:v11+s19+$0x0] =	vst.idx.msk $0xffff, v10  }
0x13f: {  	[hbm4b:s31+s4] =	stream.linear.scatter [tilespmem:s30], [sflag:$0x2], $0x80, $0x38;
	[tilespmem:$0x19400] =	vst v63  }
.LBB2_17:
0x140: {  	v10 =	vmov s29;
	_ =	sdelay $0x4  }
0x141: {  	v11 =	vld.idx.msk [tilespmem:v10+s15+$0x0], $0xffff;
	_ =	sdelay $0x4  }
0x142: {  	(v2sf) =	vpush v11, $0x0;
	_ =	sdelay $0x2  }
0x143: {  	v10 =	vld.idx.msk [tilespmem:v10+s17+$0x0], $0xffff;
	_ =	sdelay $0x4  }
0x144: {  	(v2sf) =	vpush v10, $0x0;
	_ =	sdelay $0x6  }
0x145: {  	s31 =	spop (v2sf)  }
0x146: {  	s1 =	sshrl.u32 s31, $0x7  }
0x147: {  	s0 =	ssub.s32 s1, s23  }
0x148: {  	p0 =	sgt.s32 s26, s0  }
.Ltmp21:
0x149: {  	_ = 	snop;
	(pc) =	sbr.rel @p0 .LBB2_21-.Ltmp21, $2  }
0x14a: {  	_ =	sdelay $0x2  }
0x14b: {  	s30 =	spop (v2sf)  }
0x14c: {  	s8 =	sadd.s32 s1, s28  }
0x14d: {  	s8 =	ssub.s32 s8, s26  }
0x14e: {  	p0 =	seq.s32 s8, $0x1  }
.Ltmp22:
0x14f: {  	_ = 	snop;
	(pc) =	sbr.rel @p0 .LBB2_20-.Ltmp22, $3  }
0x150: {  	_ =	sdelay $0x1  }
0x151: {  	_ =	swait.ge [sflag:s20], $0x2000  }
0x152: {  	s1 =	sadd.s32 $0x1, s0;
	[sflag:s20] =	ssyncset.done $0x0;
	s8 =	sadd.s32 $0xFFFFFFFF, s8  }
.LBB2_19:
0x153: {  	p0 =	seq.s32 s8, $0x1;
	s8 =	sadd.s32 $0xFFFFFFFF, s8;
	[sflag:s20] =	ssyncadd.s32 $0xFFFFE000  }
.Ltmp23:
0x154: {  	(pc) =	sbr.rel @!p0 .LBB2_19-.Ltmp23, $3  }
0x155: {  	_ =	sdelay $0x1  }
0x156: {  	_ =	swait.ge [sflag:s20], $0x2000  }
0x157: {  	[sflag:s20] =	ssyncset.done $0x0  }
.LBB2_20:
0x158: {  	[sflag:s20] =	ssyncadd.s32 $0xFFFFE000;
	s26 =	smov.u32 s1  }
.LBB2_21:
0x159: {  	s1 =	sadd.s32 $0xB, s26;
	p0 =	sgt.s32 s25, s24  }
0x15a: {  	p1 =	sge.s32 @!p0 s25, s1  }
0x15b: {  	p1 =	por p0, p1  }
.Ltmp24:
0x15c: {  	_ = 	snop;
	(pc) =	sbr.rel @p1 .LBB2_22-.Ltmp24, $1  }
0x15d: {  	_ =	sdelay $0x3  }
0x15e: {  	s8 =	sadd.s32 s25, s23  }
0x15f: {  	s8 =	sshll.u32 s8, $0x7  }
.LBB2_36:
0x160: {  	s9 =	smov.u32 s25;
	s10 =	smulhi.u32 $0x2AAAAAAB, s25;
	s25 =	sshra.s32 s25, $0x1F  }
0x161: {  	s25 =	smul.u32 $0x2AAAAAAB, s25;
	_ =	sdelay $0x1  }
0x162: {  	s10 =	sadd.s32 s25, s10  }
0x163: {  	s25 =	sshrl.u32 s10, $0x1F;
	s10 =	sshrl.u32 s10, $0x1  }
0x164: {  	s10 =	sadd.s32 s25, s10  }
0x165: {  	s10 =	smul.u32 $0xC, s10;
	_ =	sdelay $0x1  }
0x166: {  	s10 =	ssub.s32 s9, s10  }
0x167: {  	s10 =	sshll.u32 s10, $0xF  }
0x168: {  	s25 =	sand.u32 $0x1FFFFF80, s8;
	s10 =	sshra.s32 s10, $0x2  }
0x169: {  	s25 =	sadd.s32 s3, s25;
	s10 =	sor.u32 $0xC00, s10  }
0x16a: {  	[tilespmem:s10], [sflag:$0x1] =	stream.strided.gather [hbm4b:s25+s14], $0x2000, s16, s14, $0x38;
	[tilespmem:$0x19400] =	vst v63  }
0x16b: {  	p0 =	sge.s32 s9, s24;
	s25 =	sadd.s32 $0x1, s9  }
0x16c: {  	p1 =	slt.s32 @!p0 s25, s1  }
0x16d: {  	p1 =	por p0, !p1  }
.Ltmp25:
0x16e: {  	_ = 	snop;
	(pc) =	sbr.rel @!p1 .LBB2_36-.Ltmp25, $2  }
0x16f: {  	_ =	sdelay $0x2  }
0x170: {  	s8 =	sadd.s32 $0x80, s8  }
.Ltmp26:
0x171: {  	(pc) =	sbr.rel .LBB2_38-.Ltmp26, $2  }
0x172: {  	_ =	sdelay $0x2  }
0x173: {  	s25 =	smov.u32 @p0 s25  }
.LBB2_29:
0x174: {  	p0 =	sle.s32 s25, s26  }
.Ltmp27:
0x175: {  	_ = 	snop;
	(pc) =	sbr.rel @p0 .LBB2_33-.Ltmp27, $1  }
0x176: {  	_ =	sdelay $0x3  }
0x177: {  	s0 =	ssub.s32 s25, s26  }
0x178: {  	p0 =	seq.s32 s0, $0x1  }
.Ltmp28:
0x179: {  	_ = 	snop;
	(pc) =	sbr.rel @p0 .LBB2_32-.Ltmp28, $3  }
0x17a: {  	_ =	sdelay $0x1  }
0x17b: {  	_ =	swait.ge [sflag:s20], $0x2000  }
0x17c: {  	s0 =	sadd.s32 $0xFFFFFFFF, s0;
	[sflag:s20] =	ssyncset.done $0x0  }
.LBB2_31:
0x17d: {  	p0 =	seq.s32 s0, $0x1;
	s0 =	sadd.s32 $0xFFFFFFFF, s0;
	[sflag:s20] =	ssyncadd.s32 $0xFFFFE000  }
.Ltmp29:
0x17e: {  	(pc) =	sbr.rel @!p0 .LBB2_31-.Ltmp29, $3  }
0x17f: {  	_ =	sdelay $0x1  }
0x180: {  	_ =	swait.ge [sflag:s20], $0x2000  }
0x181: {  	[sflag:s20] =	ssyncset.done $0x0  }
.Ltmp30:
0x182: {  	_ = 	snop;
	(pc) =	sbr.rel .LBB2_32-.Ltmp30, $1  }
0x183: {  	_ =	sdelay $0x3  }
.LBB2_34:
0x184: {  	_ =	sfence.sel $0x180000  }
0x185: {  	[bflag:$0x0] =	sbarrier.arrive $0xFFFF  }
0x186: {  	_ =	strace $0x9000004D  }
0x187: {  	s0 =	stileid.u32;
	[bflag:$0x2] =	sbarrier.arrive $0xFFFF  }
0x188: {  	p0 =	sne.s32 s0, $0x0;
	s0 =	rddreg [dreg:$0x4]  }
0x189: {  	s0 =	sadd.s32 @!p0 $0x100000, s0  }
0x18a: {  	[sflag:s0] =	ssyncadd.tile.s32 @!p0 $0x1;
	_ =	shalt  }
.Lfunc_end2:
_tile_overlayer_lowered:
.L_overlay_start_2:
0x18b: {  	(tag) =	ssettag $0x2  }
0x18c: {  	s0 =	rddreg [dreg:$0x0];
	s2 =	stileid.u32  }
0x18d: {  	s1 =	rddreg [dreg:$0x1];
	p0 =	sne.s32 s2, $0x0  }
0x18e: {  	s3 =	rddreg [dreg:$0x2];
	[bflag:$0x3] =	sbarrier.arrive $0xFFFF;
	s2 =	simm.s32 @!p0 $0x1C03  }
0x18f: {  	[timem:s3], [sflag:s2] =	dma.local @!p0 [hbm:s0], s1  }
0x190: {  	s0 =	simm.s32 @!p0 $0x3  }
0x191: {  	_ =	swait.ge @!p0 [sflag:s0], s1  }
0x192: {  	s1 =	ssub.s32 @!p0 $0x0, s1;
	[sflag:s0] =	ssyncset.done @!p0 $0x0  }
0x193: {  	[sflag:s0] =	ssyncadd.s32 @!p0 s1  }
0x194: {  	[bflag:$0x3] =	sbarrier.arrive $0xFFFF  }
0x195: {  	_ =	shalt  }

</sc_bundles>
